<compile_context>
chip_gen: v7x
topology: tpu7x:2x2x1
jax: 0.10.2.dev20260603
libtpu: 0.0.44.dev20260713+nightly
codegen_flags: <defaults>
</compile_context>

<pallas_src>
import functools

import jax
import jax.numpy as jnp
from jax import lax
from jax.experimental import pallas as pl
from jax.experimental.pallas import tpu as pltpu
from jax.experimental.pallas import tpu_sc as plsc

N_E = 1024
E_DIM = 256
BETA = 0.25
B = 16
HW = 1024
T = 512
NT = HW // T

NC = 2
NS = 16
NW = NC * NS
TPW = B * HW // NW
CHUNK = 128
NCHUNK = TPW // CHUNK


def _vq_dist_block(z_ref, cb_ref, idx_ref):
    zb = z_ref[0]
    zt = zb.T
    cb = cb_ref[...]

    zn = jnp.sum(zt * zt, axis=1, keepdims=True)
    cbn = jnp.sum(cb * cb, axis=1)
    mm = lax.dot_general(zt, cb, (((1,), (1,)), ((), ())),
                         preferred_element_type=jnp.float32)
    d = zn + cbn[None, :] - 2.0 * mm

    minval = jnp.min(d, axis=1, keepdims=True)
    iota_f = lax.broadcasted_iota(jnp.int32, (T, N_E), 1).astype(jnp.float32)
    idxf = jnp.min(jnp.where(d == minval, iota_f, float(N_E)), axis=1,
                   keepdims=True)
    idx_ref[0, 0] = idxf[:, 0].astype(jnp.int32)


def _tc_distances(z3, codebook):
    grid = (B * NT,)
    return pl.pallas_call(
        _vq_dist_block,
        grid=grid,
        in_specs=[
            pl.BlockSpec((1, E_DIM, T), lambda i: (i // NT, 0, i % NT)),
            pl.BlockSpec((N_E, E_DIM), lambda i: (0, 0)),
        ],
        out_specs=pl.BlockSpec((1, 1, T), lambda i: (i, 0, 0)),
        out_shape=jax.ShapeDtypeStruct((B * NT, 1, T), jnp.int32),
    )(z3, codebook)


def _sc_gather_body(cb_hbm, idx_hbm, out_hbm, idx_v, buf0, buf1, sem0, sem1,
                    sem2, sem3):
    wid = lax.axis_index("s") * NC + lax.axis_index("c")
    tok0 = wid * TPW
    pltpu.sync_copy(idx_hbm.at[pl.ds(tok0, TPW)], idx_v)

    bufs = (buf0, buf1)
    gsems = (sem0, sem1)
    ssems = (sem2, sem3)
    gathers = [None, None]
    stores = [None, None]
    for k in range(NCHUNK):
        p = k % 2
        if stores[p] is not None:
            stores[p].wait()
        g = pltpu.make_async_copy(
            cb_hbm.at[idx_v.at[pl.ds(k * CHUNK, CHUNK)]], bufs[p], gsems[p])
        g.start()
        gathers[p] = g
        q = 1 - p
        if gathers[q] is not None:
            gathers[q].wait()
            s = pltpu.make_async_copy(
                bufs[q], out_hbm.at[pl.ds(tok0 + (k - 1) * CHUNK, CHUNK)],
                ssems[q])
            s.start()
            stores[q] = s
            gathers[q] = None
    p = (NCHUNK - 1) % 2
    gathers[p].wait()
    s = pltpu.make_async_copy(
        bufs[p], out_hbm.at[pl.ds(tok0 + (NCHUNK - 1) * CHUNK, CHUNK)],
        ssems[p])
    s.start()
    stores[p] = s
    for st in stores:
        if st is not None:
            st.wait()


def _sc_gather(codebook, idx_flat):
    mesh = plsc.VectorSubcoreMesh(core_axis_name="c", subcore_axis_name="s")
    f = functools.partial(
        pl.kernel,
        mesh=mesh,
        out_type=jax.ShapeDtypeStruct((B * HW, E_DIM), jnp.float32),
        scratch_types=[
            pltpu.VMEM((TPW,), jnp.int32),
            pltpu.VMEM((CHUNK, E_DIM), jnp.float32),
            pltpu.VMEM((CHUNK, E_DIM), jnp.float32),
            pltpu.SemaphoreType.DMA,
            pltpu.SemaphoreType.DMA,
            pltpu.SemaphoreType.DMA,
            pltpu.SemaphoreType.DMA,
        ],
    )(_sc_gather_body)
    return f(codebook, idx_flat)


def _transpose_block(zq_ref, z_ref, out_ref, part_ref):
    zq = zq_ref[0].T
    out_ref[0] = zq
    diff = zq - z_ref[0]
    part_ref[0, 0] = jnp.broadcast_to(jnp.sum(diff * diff), (128,))


def _tc_transpose(zq_rows, z3):
    return pl.pallas_call(
        _transpose_block,
        grid=(B,),
        in_specs=[
            pl.BlockSpec((1, HW, E_DIM), lambda i: (i, 0, 0)),
            pl.BlockSpec((1, E_DIM, HW), lambda i: (i, 0, 0)),
        ],
        out_specs=[
            pl.BlockSpec((1, E_DIM, HW), lambda i: (i, 0, 0)),
            pl.BlockSpec((1, 1, 128), lambda i: (i, 0, 0)),
        ],
        out_shape=[
            jax.ShapeDtypeStruct((B, E_DIM, HW), jnp.float32),
            jax.ShapeDtypeStruct((B, 1, 128), jnp.float32),
        ],
    )(zq_rows, z3)


def kernel(z, codebook):
    z3 = z.reshape(B, E_DIM, HW)
    idx2 = _tc_distances(z3, codebook)
    zq_rows = _sc_gather(codebook, idx2.reshape(B * HW))
    zq3, parts = _tc_transpose(zq_rows.reshape(B, HW, E_DIM), z3)
    z_q_out = zq3.reshape(z.shape)
    loss = (1.0 + BETA) * jnp.sum(parts[:, 0, 0]) / (B * HW * E_DIM)
    indices_out = idx2.reshape(B, 1, 32, 32)
    return (z_q_out, loss, indices_out)

# --- scband reference (transcript-rebuilt; emitter-appended) ---
"""Pipeline reference for scband-vector-quantizer-16329465659942 (READ-ONLY COPY).

The authoritative reference and input builder live on the scoring server;
editing this copy changes nothing except your own understanding.
"""

import jax, jax.numpy as jnp
import numpy as np

N_E = 1024
E_DIM = 256
BETA = 0.25


def setup_inputs(seed: int = 0) -> dict:
    key = jax.random.key(seed)
    k1, k2 = jax.random.split(key)
    z = jax.random.normal(k1, (16, 256, 32, 32), dtype=jnp.float32)
    codebook = jax.random.normal(k2, (N_E, E_DIM), dtype=jnp.float32)
    return {"z": z, "codebook": codebook}


def reference(z, codebook):
    # z: (B, C, H, W) -> (B, H, W, C)
    zp = jnp.transpose(z, (0, 2, 3, 1))
    z_flat = zp.reshape(-1, E_DIM)
    # pairwise squared distances: ||x||^2 + ||y||^2 - 2 x y^T
    d = (jnp.sum(z_flat ** 2, axis=1, keepdims=True)
         + jnp.sum(codebook ** 2, axis=1)
         - 2.0 * jnp.matmul(z_flat, codebook.T))
    min_encoding_indices = jnp.argmin(d, axis=1)
    min_encodings = jax.nn.one_hot(min_encoding_indices, N_E, dtype=z_flat.dtype)
    z_q = jnp.matmul(min_encodings, codebook).reshape(zp.shape)
    e_latent_loss = jnp.mean((jax.lax.stop_gradient(z_q) - zp) ** 2)
    q_latent_loss = jnp.mean((z_q - jax.lax.stop_gradient(zp)) ** 2)
    codebook_loss = q_latent_loss + e_latent_loss * BETA
    # straight-through estimator
    z_q_st = zp + jax.lax.stop_gradient(z_q - zp)
    z_q_out = jnp.transpose(z_q_st, (0, 3, 1, 2))
    indices_out = min_encoding_indices.reshape(z.shape[0], 1, z.shape[2], z.shape[3])
    return (z_q_out, codebook_loss, indices_out)

if __name__ == "__main__":
    import jax
    _d = setup_inputs()
    print(jax.jit(kernel)(*tuple(_d.values())))

</pallas_src>

<mosaic_0001>
#map = affine_map<(d0, d1) -> (0, 0)>
#map1 = affine_map<(d0, d1) -> (0)>
module attributes {stable_mosaic.version = 14 : i64} {
  func.func @_sc_gather_body(%arg0: i32, %arg1: i32, %arg2: memref<1024x256xf32, #tpu.memory_space<hbm>>, %arg3: memref<16384xi32, #tpu.memory_space<hbm>>, %arg4: memref<16384x256xf32, #tpu.memory_space<hbm>>, %arg5: memref<512xi32, #tpu.memory_space<vmem>>, %arg6: memref<128x256xf32, #tpu.memory_space<vmem>>, %arg7: memref<128x256xf32, #tpu.memory_space<vmem>>, %arg8: memref<!tpu.dma_semaphore, #tpu.memory_space<semaphore_mem>>, %arg9: memref<!tpu.dma_semaphore, #tpu.memory_space<semaphore_mem>>, %arg10: memref<!tpu.dma_semaphore, #tpu.memory_space<semaphore_mem>>, %arg11: memref<!tpu.dma_semaphore, #tpu.memory_space<semaphore_mem>>) attributes {dimension_semantics = [#tpu.dimension_semantics<core_parallel>, #tpu.dimension_semantics<subcore_parallel>], iteration_bounds = array<i64: 2, 16>, scalar_prefetch = 0 : i64, scratch_operands = 7 : i64, tpu.core_type = #tpu.core_type<sc_vector_subcore>, window_params = [{transform_indices = #map}, {transform_indices = #map1}, {transform_indices = #map}]} {
    %mul3A = arith.constant 2 : i32
    %mul3A_0 = arith.muli %arg1, %mul3A : i32
    %add3A = arith.addi %mul3A_0, %arg0 : i32
    %mul3A_1 = arith.constant 512 : i32
    %mul3A_2 = arith.muli %add3A, %mul3A_1 : i32
    "tpu.region"() ({
      %run_scoped3A = tpu.sem_alloc : memref<!tpu.dma_semaphore, #tpu.memory_space<semaphore_mem>>
      %dma_start3A_81 = tpu.memref_slice %arg3[%mul3A_2] : memref<16384xi32, #tpu.memory_space<hbm>> -> memref<512xi32, #tpu.memory_space<hbm>>
      %dma_start3A_82 = tpu.memref_slice %arg3[%mul3A_2] : memref<16384xi32, #tpu.memory_space<hbm>> -> memref<512xi32, #tpu.memory_space<hbm>>
      tpu.enqueue_dma source(%dma_start3A_82 : memref<512xi32, #tpu.memory_space<hbm>>) target(%arg5 : memref<512xi32, #tpu.memory_space<vmem>>) target_semaphore(%run_scoped3A : memref<!tpu.dma_semaphore, #tpu.memory_space<semaphore_mem>>)
      %dma_wait3A_83 = tpu.memref_slice %arg3[%mul3A_2] : memref<16384xi32, #tpu.memory_space<hbm>> -> memref<512xi32, #tpu.memory_space<hbm>>
      %dma_wait3A_84 = tpu.memref_slice %arg3[%mul3A_2] : memref<16384xi32, #tpu.memory_space<hbm>> -> memref<512xi32, #tpu.memory_space<hbm>>
      tpu.wait_dma2 semaphore(%run_scoped3A : memref<!tpu.dma_semaphore, #tpu.memory_space<semaphore_mem>>) src(%dma_wait3A_84 : memref<512xi32, #tpu.memory_space<hbm>>) dst(%arg5 : memref<512xi32, #tpu.memory_space<vmem>>)
      tpu.yield
    }) : () -> ()
    %dma_start3A = arith.constant 0 : i32
    %dma_start3A_3 = tpu.memref_slice %arg5[%dma_start3A] : memref<512xi32, #tpu.memory_space<vmem>> -> memref<128xi32, #tpu.memory_space<vmem>>
    %dma_start3A_4 = arith.constant 0 : i32
    %dma_start3A_5 = arith.constant 0 : i32
    %dma_start3A_6 = tpu.memref_slice %arg2[%dma_start3A_4, %dma_start3A_5] : memref<1024x256xf32, #tpu.memory_space<hbm>> -> memref<1024x256xf32, #tpu.memory_space<hbm>>
    tpu.enqueue_indirect_dma source(%dma_start3A_6 : memref<1024x256xf32, #tpu.memory_space<hbm>>) target(%arg6 : memref<128x256xf32, #tpu.memory_space<vmem>>) offsets(%dma_start3A_3 : memref<128xi32, #tpu.memory_space<vmem>>) semaphore(%arg8 : memref<!tpu.dma_semaphore, #tpu.memory_space<semaphore_mem>>)
    %dma_start3A_7 = arith.constant 128 : i32
    %dma_start3A_8 = tpu.memref_slice %arg5[%dma_start3A_7] : memref<512xi32, #tpu.memory_space<vmem>> -> memref<128xi32, #tpu.memory_space<vmem>>
    %dma_start3A_9 = arith.constant 0 : i32
    %dma_start3A_10 = arith.constant 0 : i32
    %dma_start3A_11 = tpu.memref_slice %arg2[%dma_start3A_9, %dma_start3A_10] : memref<1024x256xf32, #tpu.memory_space<hbm>> -> memref<1024x256xf32, #tpu.memory_space<hbm>>
    tpu.enqueue_indirect_dma source(%dma_start3A_11 : memref<1024x256xf32, #tpu.memory_space<hbm>>) target(%arg7 : memref<128x256xf32, #tpu.memory_space<vmem>>) offsets(%dma_start3A_8 : memref<128xi32, #tpu.memory_space<vmem>>) semaphore(%arg9 : memref<!tpu.dma_semaphore, #tpu.memory_space<semaphore_mem>>)
    %dma_wait3A = arith.constant 0 : i32
    %dma_wait3A_12 = tpu.memref_slice %arg5[%dma_wait3A] : memref<512xi32, #tpu.memory_space<vmem>> -> memref<128xi32, #tpu.memory_space<vmem>>
    %dma_wait3A_13 = arith.constant 0 : i32
    %dma_wait3A_14 = arith.constant 0 : i32
    %dma_wait3A_15 = tpu.memref_slice %arg2[%dma_wait3A_13, %dma_wait3A_14] : memref<1024x256xf32, #tpu.memory_space<hbm>> -> memref<1024x256xf32, #tpu.memory_space<hbm>>
    tpu.wait_indirect_dma semaphore(%arg8 : memref<!tpu.dma_semaphore, #tpu.memory_space<semaphore_mem>>) src(%dma_wait3A_15 : memref<1024x256xf32, #tpu.memory_space<hbm>>) dst(%arg6 : memref<128x256xf32, #tpu.memory_space<vmem>>)
    %add3A_16 = arith.constant 0 : i32
    %add3A_17 = arith.addi %mul3A_2, %add3A_16 : i32
    %dma_start3A_18 = arith.constant 0 : i32
    %dma_start3A_19 = tpu.memref_slice %arg4[%add3A_17, %dma_start3A_18] : memref<16384x256xf32, #tpu.memory_space<hbm>> -> memref<128x256xf32, #tpu.memory_space<hbm>>
    %dma_start3A_20 = arith.constant 0 : i32
    %dma_start3A_21 = tpu.memref_slice %arg4[%add3A_17, %dma_start3A_20] : memref<16384x256xf32, #tpu.memory_space<hbm>> -> memref<128x256xf32, #tpu.memory_space<hbm>>
    tpu.enqueue_dma source(%arg6 : memref<128x256xf32, #tpu.memory_space<vmem>>) target(%dma_start3A_21 : memref<128x256xf32, #tpu.memory_space<hbm>>) target_semaphore(%arg10 : memref<!tpu.dma_semaphore, #tpu.memory_space<semaphore_mem>>)
    %dma_wait3A_22 = arith.constant 0 : i32
    %dma_wait3A_23 = tpu.memref_slice %arg4[%add3A_17, %dma_wait3A_22] : memref<16384x256xf32, #tpu.memory_space<hbm>> -> memref<128x256xf32, #tpu.memory_space<hbm>>
    %dma_wait3A_24 = arith.constant 0 : i32
    %dma_wait3A_25 = tpu.memref_slice %arg4[%add3A_17, %dma_wait3A_24] : memref<16384x256xf32, #tpu.memory_space<hbm>> -> memref<128x256xf32, #tpu.memory_space<hbm>>
    tpu.wait_dma2 semaphore(%arg10 : memref<!tpu.dma_semaphore, #tpu.memory_space<semaphore_mem>>) src(%arg6 : memref<128x256xf32, #tpu.memory_space<vmem>>) dst(%dma_wait3A_25 : memref<128x256xf32, #tpu.memory_space<hbm>>)
    %dma_start3A_26 = arith.constant 256 : i32
    %dma_start3A_27 = tpu.memref_slice %arg5[%dma_start3A_26] : memref<512xi32, #tpu.memory_space<vmem>> -> memref<128xi32, #tpu.memory_space<vmem>>
    %dma_start3A_28 = arith.constant 0 : i32
    %dma_start3A_29 = arith.constant 0 : i32
    %dma_start3A_30 = tpu.memref_slice %arg2[%dma_start3A_28, %dma_start3A_29] : memref<1024x256xf32, #tpu.memory_space<hbm>> -> memref<1024x256xf32, #tpu.memory_space<hbm>>
    tpu.enqueue_indirect_dma source(%dma_start3A_30 : memref<1024x256xf32, #tpu.memory_space<hbm>>) target(%arg6 : memref<128x256xf32, #tpu.memory_space<vmem>>) offsets(%dma_start3A_27 : memref<128xi32, #tpu.memory_space<vmem>>) semaphore(%arg8 : memref<!tpu.dma_semaphore, #tpu.memory_space<semaphore_mem>>)
    %dma_wait3A_31 = arith.constant 128 : i32
    %dma_wait3A_32 = tpu.memref_slice %arg5[%dma_wait3A_31] : memref<512xi32, #tpu.memory_space<vmem>> -> memref<128xi32, #tpu.memory_space<vmem>>
    %dma_wait3A_33 = arith.constant 0 : i32
    %dma_wait3A_34 = arith.constant 0 : i32
    %dma_wait3A_35 = tpu.memref_slice %arg2[%dma_wait3A_33, %dma_wait3A_34] : memref<1024x256xf32, #tpu.memory_space<hbm>> -> memref<1024x256xf32, #tpu.memory_space<hbm>>
    tpu.wait_indirect_dma semaphore(%arg9 : memref<!tpu.dma_semaphore, #tpu.memory_space<semaphore_mem>>) src(%dma_wait3A_35 : memref<1024x256xf32, #tpu.memory_space<hbm>>) dst(%arg7 : memref<128x256xf32, #tpu.memory_space<vmem>>)
    %add3A_36 = arith.constant 128 : i32
    %add3A_37 = arith.addi %mul3A_2, %add3A_36 : i32
    %dma_start3A_38 = arith.constant 0 : i32
    %dma_start3A_39 = tpu.memref_slice %arg4[%add3A_37, %dma_start3A_38] : memref<16384x256xf32, #tpu.memory_space<hbm>> -> memref<128x256xf32, #tpu.memory_space<hbm>>
    %dma_start3A_40 = arith.constant 0 : i32
    %dma_start3A_41 = tpu.memref_slice %arg4[%add3A_37, %dma_start3A_40] : memref<16384x256xf32, #tpu.memory_space<hbm>> -> memref<128x256xf32, #tpu.memory_space<hbm>>
    tpu.enqueue_dma source(%arg7 : memref<128x256xf32, #tpu.memory_space<vmem>>) target(%dma_start3A_41 : memref<128x256xf32, #tpu.memory_space<hbm>>) target_semaphore(%arg11 : memref<!tpu.dma_semaphore, #tpu.memory_space<semaphore_mem>>)
    %dma_wait3A_42 = arith.constant 0 : i32
    %dma_wait3A_43 = tpu.memref_slice %arg4[%add3A_37, %dma_wait3A_42] : memref<16384x256xf32, #tpu.memory_space<hbm>> -> memref<128x256xf32, #tpu.memory_space<hbm>>
    %dma_wait3A_44 = arith.constant 0 : i32
    %dma_wait3A_45 = tpu.memref_slice %arg4[%add3A_37, %dma_wait3A_44] : memref<16384x256xf32, #tpu.memory_space<hbm>> -> memref<128x256xf32, #tpu.memory_space<hbm>>
    tpu.wait_dma2 semaphore(%arg11 : memref<!tpu.dma_semaphore, #tpu.memory_space<semaphore_mem>>) src(%arg7 : memref<128x256xf32, #tpu.memory_space<vmem>>) dst(%dma_wait3A_45 : memref<128x256xf32, #tpu.memory_space<hbm>>)
    %dma_start3A_46 = arith.constant 384 : i32
    %dma_start3A_47 = tpu.memref_slice %arg5[%dma_start3A_46] : memref<512xi32, #tpu.memory_space<vmem>> -> memref<128xi32, #tpu.memory_space<vmem>>
    %dma_start3A_48 = arith.constant 0 : i32
    %dma_start3A_49 = arith.constant 0 : i32
    %dma_start3A_50 = tpu.memref_slice %arg2[%dma_start3A_48, %dma_start3A_49] : memref<1024x256xf32, #tpu.memory_space<hbm>> -> memref<1024x256xf32, #tpu.memory_space<hbm>>
    tpu.enqueue_indirect_dma source(%dma_start3A_50 : memref<1024x256xf32, #tpu.memory_space<hbm>>) target(%arg7 : memref<128x256xf32, #tpu.memory_space<vmem>>) offsets(%dma_start3A_47 : memref<128xi32, #tpu.memory_space<vmem>>) semaphore(%arg9 : memref<!tpu.dma_semaphore, #tpu.memory_space<semaphore_mem>>)
    %dma_wait3A_51 = arith.constant 256 : i32
    %dma_wait3A_52 = tpu.memref_slice %arg5[%dma_wait3A_51] : memref<512xi32, #tpu.memory_space<vmem>> -> memref<128xi32, #tpu.memory_space<vmem>>
    %dma_wait3A_53 = arith.constant 0 : i32
    %dma_wait3A_54 = arith.constant 0 : i32
    %dma_wait3A_55 = tpu.memref_slice %arg2[%dma_wait3A_53, %dma_wait3A_54] : memref<1024x256xf32, #tpu.memory_space<hbm>> -> memref<1024x256xf32, #tpu.memory_space<hbm>>
    tpu.wait_indirect_dma semaphore(%arg8 : memref<!tpu.dma_semaphore, #tpu.memory_space<semaphore_mem>>) src(%dma_wait3A_55 : memref<1024x256xf32, #tpu.memory_space<hbm>>) dst(%arg6 : memref<128x256xf32, #tpu.memory_space<vmem>>)
    %add3A_56 = arith.constant 256 : i32
    %add3A_57 = arith.addi %mul3A_2, %add3A_56 : i32
    %dma_start3A_58 = arith.constant 0 : i32
    %dma_start3A_59 = tpu.memref_slice %arg4[%add3A_57, %dma_start3A_58] : memref<16384x256xf32, #tpu.memory_space<hbm>> -> memref<128x256xf32, #tpu.memory_space<hbm>>
    %dma_start3A_60 = arith.constant 0 : i32
    %dma_start3A_61 = tpu.memref_slice %arg4[%add3A_57, %dma_start3A_60] : memref<16384x256xf32, #tpu.memory_space<hbm>> -> memref<128x256xf32, #tpu.memory_space<hbm>>
    tpu.enqueue_dma source(%arg6 : memref<128x256xf32, #tpu.memory_space<vmem>>) target(%dma_start3A_61 : memref<128x256xf32, #tpu.memory_space<hbm>>) target_semaphore(%arg10 : memref<!tpu.dma_semaphore, #tpu.memory_space<semaphore_mem>>)
    %dma_wait3A_62 = arith.constant 384 : i32
    %dma_wait3A_63 = tpu.memref_slice %arg5[%dma_wait3A_62] : memref<512xi32, #tpu.memory_space<vmem>> -> memref<128xi32, #tpu.memory_space<vmem>>
    %dma_wait3A_64 = arith.constant 0 : i32
    %dma_wait3A_65 = arith.constant 0 : i32
    %dma_wait3A_66 = tpu.memref_slice %arg2[%dma_wait3A_64, %dma_wait3A_65] : memref<1024x256xf32, #tpu.memory_space<hbm>> -> memref<1024x256xf32, #tpu.memory_space<hbm>>
    tpu.wait_indirect_dma semaphore(%arg9 : memref<!tpu.dma_semaphore, #tpu.memory_space<semaphore_mem>>) src(%dma_wait3A_66 : memref<1024x256xf32, #tpu.memory_space<hbm>>) dst(%arg7 : memref<128x256xf32, #tpu.memory_space<vmem>>)
    %add3A_67 = arith.constant 384 : i32
    %add3A_68 = arith.addi %mul3A_2, %add3A_67 : i32
    %dma_start3A_69 = arith.constant 0 : i32
    %dma_start3A_70 = tpu.memref_slice %arg4[%add3A_68, %dma_start3A_69] : memref<16384x256xf32, #tpu.memory_space<hbm>> -> memref<128x256xf32, #tpu.memory_space<hbm>>
    %dma_start3A_71 = arith.constant 0 : i32
    %dma_start3A_72 = tpu.memref_slice %arg4[%add3A_68, %dma_start3A_71] : memref<16384x256xf32, #tpu.memory_space<hbm>> -> memref<128x256xf32, #tpu.memory_space<hbm>>
    tpu.enqueue_dma source(%arg7 : memref<128x256xf32, #tpu.memory_space<vmem>>) target(%dma_start3A_72 : memref<128x256xf32, #tpu.memory_space<hbm>>) target_semaphore(%arg11 : memref<!tpu.dma_semaphore, #tpu.memory_space<semaphore_mem>>)
    %dma_wait3A_73 = arith.constant 0 : i32
    %dma_wait3A_74 = tpu.memref_slice %arg4[%add3A_57, %dma_wait3A_73] : memref<16384x256xf32, #tpu.memory_space<hbm>> -> memref<128x256xf32, #tpu.memory_space<hbm>>
    %dma_wait3A_75 = arith.constant 0 : i32
    %dma_wait3A_76 = tpu.memref_slice %arg4[%add3A_57, %dma_wait3A_75] : memref<16384x256xf32, #tpu.memory_space<hbm>> -> memref<128x256xf32, #tpu.memory_space<hbm>>
    tpu.wait_dma2 semaphore(%arg10 : memref<!tpu.dma_semaphore, #tpu.memory_space<semaphore_mem>>) src(%arg6 : memref<128x256xf32, #tpu.memory_space<vmem>>) dst(%dma_wait3A_76 : memref<128x256xf32, #tpu.memory_space<hbm>>)
    %dma_wait3A_77 = arith.constant 0 : i32
    %dma_wait3A_78 = tpu.memref_slice %arg4[%add3A_68, %dma_wait3A_77] : memref<16384x256xf32, #tpu.memory_space<hbm>> -> memref<128x256xf32, #tpu.memory_space<hbm>>
    %dma_wait3A_79 = arith.constant 0 : i32
    %dma_wait3A_80 = tpu.memref_slice %arg4[%add3A_68, %dma_wait3A_79] : memref<16384x256xf32, #tpu.memory_space<hbm>> -> memref<128x256xf32, #tpu.memory_space<hbm>>
    tpu.wait_dma2 semaphore(%arg11 : memref<!tpu.dma_semaphore, #tpu.memory_space<semaphore_mem>>) src(%arg7 : memref<128x256xf32, #tpu.memory_space<vmem>>) dst(%dma_wait3A_80 : memref<128x256xf32, #tpu.memory_space<hbm>>)
    return
  }
}

module attributes {stable_mosaic.version = 14 : i64} {
  func.func @_vq_dist_block(%arg0: i32, %arg1: memref<1x256x512xf32, #tpu.memory_space<vmem>>, %arg2: memref<1024x256xf32, #tpu.memory_space<vmem>>, %arg3: memref<1x1x512xi32, #tpu.memory_space<vmem>>) attributes {dimension_semantics = [#tpu.dimension_semantics<arbitrary>], iteration_bounds = array<i64: 32>, scalar_prefetch = 0 : i64, scratch_operands = 0 : i64, tpu.core_type = #tpu.core_type<tc>, window_params = [{transform_indices = @transform_0, window_bounds = array<i64: 1, 256, 512>}, {pipeline_mode = #tpu.pipeline_mode<synchronous>, transform_indices = @transform_1, window_bounds = array<i64: 1024, 256>}, {transform_indices = @transform_2, window_bounds = array<i64: 1, 1, 512>}]} {
    %get3A = arith.constant 0 : index
    %get3A_0 = arith.constant 0 : index
    %get3A_1 = arith.constant 0 : index
    %get3A_2 = vector.load %arg1[%get3A, %get3A_0, %get3A_1] : memref<1x256x512xf32, #tpu.memory_space<vmem>>, vector<1x256x512xf32>
    %get3A_3 = vector.shape_cast %get3A_2 : vector<1x256x512xf32> to vector<256x512xf32>
    %transpose3A = tpu.transpose %get3A_3, [1, 0] : vector<256x512xf32> -> vector<512x256xf32>
    %get3A_4 = arith.constant 0 : index
    %get3A_5 = arith.constant 0 : index
    %get3A_6 = vector.load %arg2[%get3A_4, %get3A_5] : memref<1024x256xf32, #tpu.memory_space<vmem>>, vector<1024x256xf32>
    %mul3A = arith.mulf %transpose3A, %transpose3A : vector<512x256xf32>
    %reduce_sum3A = arith.constant dense<0.000000e+00> : vector<512xf32>
    %reduce_sum3A_7 = vector.multi_reduction <add>, %mul3A, %reduce_sum3A [1] : vector<512x256xf32> to vector<512xf32>
    %broadcast_in_dim3A = vector.shape_cast %reduce_sum3A_7 : vector<512xf32> to vector<512x1xf32>
    %mul3A_8 = arith.mulf %get3A_6, %get3A_6 : vector<1024x256xf32>
    %reduce_sum3A_9 = arith.constant dense<0.000000e+00> : vector<1024xf32>
    %reduce_sum3A_10 = vector.multi_reduction <add>, %mul3A_8, %reduce_sum3A_9 [1] : vector<1024x256xf32> to vector<1024xf32>
    %dot_general3A = arith.constant dense<0.000000e+00> : vector<512x1024xf32>
    %dot_general3A_11 = tpu.matmul %transpose3A, %get3A_6, %dot_general3A {dimension_numbers = #tpu.dot_dimension_numbers<[1], [1], [0], [0], [0, 0, 1, 0], [], []>, transpose_lhs_hint = false} : vector<512x256xf32>, vector<1024x256xf32>, vector<512x1024xf32> -> vector<512x1024xf32>
    %broadcast_in_dim3A_12 = vector.shape_cast %reduce_sum3A_10 : vector<1024xf32> to vector<1x1024xf32>
    %add3A = vector.broadcast %broadcast_in_dim3A : vector<512x1xf32> to vector<512x1024xf32>
    %add3A_13 = vector.broadcast %broadcast_in_dim3A_12 : vector<1x1024xf32> to vector<512x1024xf32>
    %add3A_14 = arith.addf %add3A, %add3A_13 : vector<512x1024xf32>
    %mul3A_15 = arith.constant 2.000000e+00 : f32
    %mul3A_16 = vector.broadcast %mul3A_15 : f32 to vector<512x1024xf32>
    %mul3A_17 = arith.mulf %mul3A_16, %dot_general3A_11 : vector<512x1024xf32>
    %sub3A = arith.subf %add3A_14, %mul3A_17 : vector<512x1024xf32>
    %reduce_min3A = arith.constant dense<0x7F800000> : vector<512xf32>
    %reduce_min3A_18 = vector.multi_reduction <minimumf>, %sub3A, %reduce_min3A [1] : vector<512x1024xf32> to vector<512xf32>
    %broadcast_in_dim3A_19 = vector.shape_cast %reduce_min3A_18 : vector<512xf32> to vector<512x1xf32>
    %iota3A = tpu.iota {dimensions = array<i32: 1>} : vector<512x1024xi32>
    %convert_element_type3A = arith.sitofp %iota3A : vector<512x1024xi32> to vector<512x1024xf32>
    %eq3A = vector.broadcast %broadcast_in_dim3A_19 : vector<512x1xf32> to vector<512x1024xf32>
    %eq3A_20 = arith.cmpf oeq, %sub3A, %eq3A : vector<512x1024xf32>
    %jit3A = arith.constant 1.024000e+03 : f32
    %broadcast_in_dim3A_21 = vector.broadcast %jit3A : f32 to vector<512x1024xf32>
    %select_n3A = arith.select %eq3A_20, %convert_element_type3A, %broadcast_in_dim3A_21 : vector<512x1024xi1>, vector<512x1024xf32>
    %reduce_min3A_22 = arith.constant dense<0x7F800000> : vector<512xf32>
    %reduce_min3A_23 = vector.multi_reduction <minimumf>, %select_n3A, %reduce_min3A_22 [1] : vector<512x1024xf32> to vector<512xf32>
    %broadcast_in_dim3A_24 = vector.shape_cast %reduce_min3A_23 : vector<512xf32> to vector<512x1xf32>
    %squeeze3A = vector.shape_cast %broadcast_in_dim3A_24 : vector<512x1xf32> to vector<512xf32>
    %convert_element_type3A_25 = arith.fptosi %squeeze3A : vector<512xf32> to vector<512xi32>
    %swap3A = arith.constant 0 : index
    %swap3A_26 = arith.constant 0 : index
    %swap3A_27 = arith.constant 0 : index
    %swap3A_28 = vector.load %arg3[%swap3A, %swap3A_26, %swap3A_27] : memref<1x1x512xi32, #tpu.memory_space<vmem>>, vector<1x1x512xi32>
    %swap3A_29 = vector.shape_cast %swap3A_28 : vector<1x1x512xi32> to vector<512xi32>
    %swap3A_30 = vector.shape_cast %convert_element_type3A_25 : vector<512xi32> to vector<1x1x512xi32>
    tpu.vector_store %arg3[%swap3A, %swap3A_26, %swap3A_27], %swap3A_30 {strides = array<i32>} : memref<1x1x512xi32, #tpu.memory_space<vmem>>, vector<1x1x512xi32>,
    return
  }
  func.func @transform_0(%arg0: i32) -> (i32, i32, i32) {
    %jit3A = arith.constant 2 : i32
    %div3A = arith.divsi %arg0, %jit3A : i32
    %sign3A = arith.constant 0 : i32
    %sign3A_0 = arith.cmpi sgt, %arg0, %sign3A : i32
    %sign3A_1 = arith.extui %sign3A_0 : i1 to i32
    %sign3A_2 = arith.constant 0 : i32
    %sign3A_3 = arith.cmpi slt, %arg0, %sign3A_2 : i32
    %sign3A_4 = arith.extui %sign3A_3 : i1 to i32
    %sign3A_5 = arith.subi %sign3A_1, %sign3A_4 : i32
    %sign3A_6 = arith.constant 0 : i32
    %sign3A_7 = arith.cmpi sgt, %jit3A, %sign3A_6 : i32
    %sign3A_8 = arith.extui %sign3A_7 : i1 to i32
    %sign3A_9 = arith.constant 0 : i32
    %sign3A_10 = arith.cmpi slt, %jit3A, %sign3A_9 : i32
    %sign3A_11 = arith.extui %sign3A_10 : i1 to i32
    %sign3A_12 = arith.subi %sign3A_8, %sign3A_11 : i32
    %ne3A = arith.cmpi ne, %sign3A_5, %sign3A_12 : i32
    %rem3A = arith.remsi %arg0, %jit3A : i32
    %ne3A_13 = arith.constant 0 : i32
    %ne3A_14 = arith.cmpi ne, %rem3A, %ne3A_13 : i32
    %and3A = arith.andi %ne3A, %ne3A_14 : i1
    %sub3A = arith.constant 1 : i32
    %sub3A_15 = arith.subi %div3A, %sub3A : i32
    %select_n3A = arith.select %and3A, %sub3A_15, %div3A : i32
    %jit3A_16 = arith.constant 2 : i32
    %eq3A = arith.constant 0 : i32
    %eq3A_17 = arith.cmpi eq, %jit3A_16, %eq3A : i32
    %jit3A_18 = arith.constant 1 : i32
    %select_n3A_19 = arith.select %eq3A_17, %jit3A_18, %jit3A_16 : i32
    %rem3A_20 = arith.remsi %arg0, %select_n3A_19 : i32
    %ne3A_21 = arith.constant 0 : i32
    %ne3A_22 = arith.cmpi ne, %rem3A_20, %ne3A_21 : i32
    %lt3A = arith.constant 0 : i32
    %lt3A_23 = arith.cmpi slt, %rem3A_20, %lt3A : i32
    %lt3A_24 = arith.constant 0 : i32
    %lt3A_25 = arith.cmpi slt, %select_n3A_19, %lt3A_24 : i32
    %ne3A_26 = arith.xori %lt3A_23, %lt3A_25 : i1
    %and3A_27 = arith.andi %ne3A_26, %ne3A_22 : i1
    %add3A = arith.addi %rem3A_20, %select_n3A_19 : i32
    %select_n3A_28 = arith.select %and3A_27, %add3A, %rem3A_20 : i32
    %c0_i32 = arith.constant 0 : i32
    %c0_i32_29 = arith.constant 0 : i32
    return %select_n3A, %c0_i32, %select_n3A_28 : i32, i32, i32
  }
  func.func @transform_1(%arg0: i32) -> (i32, i32) {
    %c0_i32 = arith.constant 0 : i32
    %c0_i32_0 = arith.constant 0 : i32
    %c0_i32_1 = arith.constant 0 : i32
    return %c0_i32, %c0_i32_0 : i32, i32
  }
  func.func @transform_2(%arg0: i32) -> (i32, i32, i32) {
    %c0_i32 = arith.constant 0 : i32
    %c0_i32_0 = arith.constant 0 : i32
    %c0_i32_1 = arith.constant 0 : i32
    return %arg0, %c0_i32, %c0_i32_0 : i32, i32, i32
  }
}

module attributes {stable_mosaic.version = 14 : i64} {
  func.func @_transpose_block(%arg0: i32, %arg1: memref<1x1024x256xf32, #tpu.memory_space<vmem>>, %arg2: memref<1x256x1024xf32, #tpu.memory_space<vmem>>, %arg3: memref<1x256x1024xf32, #tpu.memory_space<vmem>>, %arg4: memref<1x1x128xf32, #tpu.memory_space<vmem>>) attributes {dimension_semantics = [#tpu.dimension_semantics<arbitrary>], iteration_bounds = array<i64: 16>, scalar_prefetch = 0 : i64, scratch_operands = 0 : i64, tpu.core_type = #tpu.core_type<tc>, window_params = [{transform_indices = @transform_0, window_bounds = array<i64: 1, 1024, 256>}, {transform_indices = @transform_1, window_bounds = array<i64: 1, 256, 1024>}, {transform_indices = @transform_2, window_bounds = array<i64: 1, 256, 1024>}, {transform_indices = @transform_3, window_bounds = array<i64: 1, 1, 128>}]} {
    %get3A = arith.constant 0 : index
    %get3A_0 = arith.constant 0 : index
    %get3A_1 = arith.constant 0 : index
    %get3A_2 = vector.load %arg1[%get3A, %get3A_0, %get3A_1] : memref<1x1024x256xf32, #tpu.memory_space<vmem>>, vector<1x1024x256xf32>
    %get3A_3 = vector.shape_cast %get3A_2 : vector<1x1024x256xf32> to vector<1024x256xf32>
    %transpose3A = tpu.transpose %get3A_3, [1, 0] : vector<1024x256xf32> -> vector<256x1024xf32>
    %swap3A = arith.constant 0 : index
    %swap3A_4 = arith.constant 0 : index
    %swap3A_5 = arith.constant 0 : index
    %swap3A_6 = vector.load %arg3[%swap3A, %swap3A_4, %swap3A_5] : memref<1x256x1024xf32, #tpu.memory_space<vmem>>, vector<1x256x1024xf32>
    %swap3A_7 = vector.shape_cast %swap3A_6 : vector<1x256x1024xf32> to vector<256x1024xf32>
    %swap3A_8 = vector.shape_cast %transpose3A : vector<256x1024xf32> to vector<1x256x1024xf32>
    tpu.vector_store %arg3[%swap3A, %swap3A_4, %swap3A_5], %swap3A_8 {strides = array<i32>} : memref<1x256x1024xf32, #tpu.memory_space<vmem>>, vector<1x256x1024xf32>,
    %get3A_9 = arith.constant 0 : index
    %get3A_10 = arith.constant 0 : index
    %get3A_11 = arith.constant 0 : index
    %get3A_12 = vector.load %arg2[%get3A_9, %get3A_10, %get3A_11] : memref<1x256x1024xf32, #tpu.memory_space<vmem>>, vector<1x256x1024xf32>
    %get3A_13 = vector.shape_cast %get3A_12 : vector<1x256x1024xf32> to vector<256x1024xf32>
    %sub3A = arith.subf %transpose3A, %get3A_13 : vector<256x1024xf32>
    %mul3A = arith.mulf %sub3A, %sub3A : vector<256x1024xf32>
    %reduce_sum3A = vector.shape_cast %mul3A : vector<256x1024xf32> to vector<1x256x1024xf32>
    %reduce_sum3A_14 = arith.constant dense<0.000000e+00> : vector<1xf32>
    %reduce_sum3A_15 = vector.multi_reduction <add>, %reduce_sum3A, %reduce_sum3A_14 [1, 2] : vector<1x256x1024xf32> to vector<1xf32>
    %reduce_sum3A_16 = vector.shape_cast %reduce_sum3A_15 : vector<1xf32> to vector<1x1x1xf32>
    %reduce_sum3A_17 = vector.extract %reduce_sum3A_16[0, 0, 0] : f32 from vector<1x1x1xf32>
    %broadcast_in_dim3A = vector.broadcast %reduce_sum3A_17 : f32 to vector<128xf32>
    %swap3A_18 = arith.constant 0 : index
    %swap3A_19 = arith.constant 0 : index
    %swap3A_20 = arith.constant 0 : index
    %swap3A_21 = vector.load %arg4[%swap3A_18, %swap3A_19, %swap3A_20] : memref<1x1x128xf32, #tpu.memory_space<vmem>>, vector<1x1x128xf32>
    %swap3A_22 = vector.shape_cast %swap3A_21 : vector<1x1x128xf32> to vector<128xf32>
    %swap3A_23 = vector.shape_cast %broadcast_in_dim3A : vector<128xf32> to vector<1x1x128xf32>
    tpu.vector_store %arg4[%swap3A_18, %swap3A_19, %swap3A_20], %swap3A_23 {strides = array<i32>} : memref<1x1x128xf32, #tpu.memory_space<vmem>>, vector<1x1x128xf32>,
    return
  }
  func.func @transform_0(%arg0: i32) -> (i32, i32, i32) {
    %c0_i32 = arith.constant 0 : i32
    %c0_i32_0 = arith.constant 0 : i32
    %c0_i32_1 = arith.constant 0 : i32
    return %arg0, %c0_i32, %c0_i32_0 : i32, i32, i32
  }
  func.func @transform_1(%arg0: i32) -> (i32, i32, i32) {
    %c0_i32 = arith.constant 0 : i32
    %c0_i32_0 = arith.constant 0 : i32
    %c0_i32_1 = arith.constant 0 : i32
    return %arg0, %c0_i32, %c0_i32_0 : i32, i32, i32
  }
  func.func @transform_2(%arg0: i32) -> (i32, i32, i32) {
    %c0_i32 = arith.constant 0 : i32
    %c0_i32_0 = arith.constant 0 : i32
    %c0_i32_1 = arith.constant 0 : i32
    return %arg0, %c0_i32, %c0_i32_0 : i32, i32, i32
  }
  func.func @transform_3(%arg0: i32) -> (i32, i32, i32) {
    %c0_i32 = arith.constant 0 : i32
    %c0_i32_0 = arith.constant 0 : i32
    %c0_i32_1 = arith.constant 0 : i32
    return %arg0, %c0_i32, %c0_i32_0 : i32, i32, i32
  }
}

</mosaic_0001>

<sc_bundles>
// kernel: kernel.5.cloned.1.call-start
scs
__scs_entry_jumppad:
0x0: {  	(pc) =	sbr.rel $0x88, $3  }
0x1: {  	(tag) =	ssettag $0x0;
	lr =	simm.s32 $0x1  }
0x2: {  	[smem:$0x3F9F] =	sst lr;
	_ =	strace $0xD0000000  }
0x3: {  	_ = 	snop  }
0x4: {  	_ = 	snop  }
0x5: {  	_ = 	snop  }
0x6: {  	_ = 	snop  }
0x7: {  	_ = 	snop  }
__scs_overlays_trampoline_lowered:
0x8: {  	[smem:$0x3FAE] =	sst s0  }
0x9: {  	[smem:$0x3FAF] =	sst s1  }
0xa: {  	[smem:$0x3FB0] =	sst s2  }
0xb: {  	[smem:$0x3FB1] =	sst s3  }
0xc: {  	[smem:$0x3FB2] =	sst s4  }
0xd: {  	[smem:$0x3FB3] =	sst s5  }
0xe: {  	[smem:$0x3FB4] =	sst s6  }
0xf: {  	[smem:$0x3FB5] =	sst s7  }
0x10: {  	[smem:$0x3FB6] =	sst s8  }
0x11: {  	[smem:$0x3FB7] =	sst s9;
	s0 =	simm.s32 @!p0 $0x0  }
0x12: {  	s1 =	sld [smem:$0x3F9D];
	s0 =	simm.s32 @p0 $0x1  }
0x13: {  	[smem:$0x3FB8] =	sst s0;
	s0 =	simm.s32 @!p1 $0x0  }
0x14: {  	s2 =	sld [smem:$0x3F9C];
	s0 =	simm.s32 @p1 $0x1  }
0x15: {  	[smem:$0x3FB9] =	sst s0;
	s0 =	simm.s32 @!p2 $0x0  }
0x16: {  	s3 =	sld [smem:$0x3FDB];
	s0 =	simm.s32 @p2 $0x1  }
0x17: {  	s4 =	simm.s32 $0x1BF5;
	[smem:$0x3FBB] =	sst s0  }
0x18: {  	s0 =	sld [smem:$0x3F9E];
	_ =	swait.ge [sflag:s4], $0x0  }
0x19: {  	s7 =	sld [smem:$0x3F9F]  }
0x1a: {  	s8 =	sadd.s32 $0xFFFFE003, lr  }
0x1b: {  	s9 =	sadd.s32 $0xFFFFFEF7, lr;
	s5 =	simm.s32 $0xFFFFFFFF;
	p2 =	slt.u32 s8, $0xFFFFF086  }
0x1c: {  	p1 =	slt.u32 s9, $0xF7A;
	s5 =	simm.s32 @!p2 $0x0  }
0x1d: {  	s5 =	simm.s32 @p1 $0x1;
	p0 =	seq.s32 s7, s2  }
0x1e: {  	s7 =	smul.u32 @!p0 $0xF7A, s2;
	p2 =	seq.s32 @!p0 s5, $0x0  }
0x1f: {  	s9 =	smul.u32 $0xF7A, s1;
	s8 =	simm.s32 @!p0 $0x1BF5;
	p2 =	por !p2, p0  }
0x20: {  	[sflag:s8] =	ssyncset.s32 @!p0 $0xFFFFF086;
	s6 =	sadd.s32 @!p0 s3, s7;
	s7 =	simm.s32 @!p0 $0x108  }
0x21: {  	s3 =	sadd.s32 s3, s9;
	s6 =	sadd.s32 @!p0 $0x88, s6;
	s7 =	simm.s32 @p2 $0x1082  }
0x22: {  	[simem:s7], [sflag:s8] =	dma.local @!p0 [hbm:s6], $0xF7A  }
0x23: {  	s9 =	sor.u32 $0xD0000000, s2;
	s6 =	simm.s32 $0x108;
	_ =	swait.ge @!p0 [sflag:s8], $0x0  }
0x24: {  	s3 =	sadd.s32 $0x88, s3;
	s6 =	simm.s32 @!p1 $0x1082;
	[sflag:s4] =	ssyncset.s32 $0xFFFFF086  }
0x25: {  	[simem:s6], [sflag:s4] =	dma.local [hbm:s3], $0xF7A  }
0x26: {  	[smem:$0x3F9F] =	sst s1;
	(tag) =	ssettag s2;
	_ =	strace s9  }
0x27: {  	s1 =	sld [smem:$0x3FAF]  }
0x28: {  	s2 =	sld [smem:$0x3FB0]  }
0x29: {  	s4 =	sld [smem:$0x3FB2]  }
0x2a: {  	p0 =	seq.s32 s5, $0x0;
	s5 =	sld [smem:$0x3FB3]  }
0x2b: {  	s6 =	sld [smem:$0x3FB4]  }
0x2c: {  	s7 =	sld [smem:$0x3FB5]  }
0x2d: {  	s3 =	simm.s32 $0x108;
	s8 =	sld [smem:$0x3FB6]  }
0x2e: {  	s3 =	simm.s32 @!p0 $0x1082;
	s9 =	sld [smem:$0x3FB7]  }
0x2f: {  	lr =	sadd.s32 s0, s3;
	s0 =	sld [smem:$0x3FAE]  }
0x30: {  	s3 =	sld [smem:$0x3FB1]  }
0x31: {  	[smem:$0x3FBA] =	sst s10  }
0x32: {  	s10 =	sld [smem:$0x3FB8];
	_ =	sdelay $0x3  }
0x33: {  	p0 =	seq.s32 s10, $0x1;
	s10 =	sld [smem:$0x3FBA];
	_ =	sdelay $0x3  }
0x34: {  	[smem:$0x3FBA] =	sst s10  }
0x35: {  	s10 =	sld [smem:$0x3FB9];
	_ =	sdelay $0x3  }
0x36: {  	p1 =	seq.s32 s10, $0x1;
	s10 =	sld [smem:$0x3FBA];
	_ =	sdelay $0x3  }
0x37: {  	[smem:$0x3FBA] =	sst s10  }
0x38: {  	s10 =	sld [smem:$0x3FBB]  }
0x39: {  	_ = 	snop;
	(pc) =	sbr.ind lr, $3  }
0x3a: {  	_ = 	snop  }
0x3b: {  	_ = 	snop  }
0x3c: {  	p2 =	seq.s32 s10, $0x1;
	s10 =	sld [smem:$0x3FBA]  }
0x3d: {  	_ =	shalt  }
0x3e: {  	_ =	shalt  }
0x3f: {  	_ =	shalt  }
0x40: {  	_ =	shalt  }
0x41: {  	_ =	shalt  }
0x42: {  	_ =	shalt  }
0x43: {  	_ =	shalt  }
0x44: {  	_ =	shalt  }
0x45: {  	_ =	shalt  }
0x46: {  	_ =	shalt  }
0x47: {  	_ =	shalt  }
0x48: {  	_ =	shalt  }
0x49: {  	_ =	shalt  }
0x4a: {  	_ =	shalt  }
0x4b: {  	_ =	shalt  }
0x4c: {  	_ =	shalt  }
0x4d: {  	_ =	shalt  }
0x4e: {  	_ =	shalt  }
0x4f: {  	_ =	shalt  }
0x50: {  	_ =	shalt  }
0x51: {  	_ =	shalt  }
0x52: {  	_ =	shalt  }
0x53: {  	_ =	shalt  }
0x54: {  	_ =	shalt  }
0x55: {  	_ =	shalt  }
0x56: {  	_ =	shalt  }
0x57: {  	_ =	shalt  }
0x58: {  	_ =	shalt  }
0x59: {  	_ =	shalt  }
0x5a: {  	_ =	shalt  }
0x5b: {  	_ =	shalt  }
0x5c: {  	_ =	shalt  }
0x5d: {  	_ =	shalt  }
0x5e: {  	_ =	shalt  }
0x5f: {  	_ =	shalt  }
0x60: {  	_ =	shalt  }
0x61: {  	_ =	shalt  }
0x62: {  	_ =	shalt  }
0x63: {  	_ =	shalt  }
0x64: {  	_ =	shalt  }
0x65: {  	_ =	shalt  }
0x66: {  	_ =	shalt  }
0x67: {  	_ =	shalt  }
0x68: {  	_ =	shalt  }
0x69: {  	_ =	shalt  }
0x6a: {  	_ =	shalt  }
0x6b: {  	_ =	shalt  }
0x6c: {  	_ =	shalt  }
0x6d: {  	_ =	shalt  }
0x6e: {  	_ =	shalt  }
0x6f: {  	_ =	shalt  }
0x70: {  	_ =	shalt  }
0x71: {  	_ =	shalt  }
0x72: {  	_ =	shalt  }
0x73: {  	_ =	shalt  }
0x74: {  	_ =	shalt  }
0x75: {  	_ =	shalt  }
0x76: {  	_ =	shalt  }
0x77: {  	_ =	shalt  }
0x78: {  	_ =	shalt  }
0x79: {  	_ =	shalt  }
0x7a: {  	_ =	shalt  }
0x7b: {  	_ =	shalt  }
0x7c: {  	_ =	shalt  }
0x7d: {  	_ =	shalt  }
0x7e: {  	_ =	shalt  }
0x7f: {  	_ =	shalt  }
0x80: {  	_ =	shalt  }
0x81: {  	_ =	shalt  }
0x82: {  	_ =	shalt  }
0x83: {  	_ =	shalt  }
0x84: {  	_ =	shalt  }
0x85: {  	_ =	shalt  }
0x86: {  	_ =	shalt  }
0x87: {  	_ =	shalt  }
.Lfunc_end0:
.L_simem_size_0:
called_computation_lowered:
.L_overlay_start_0:
0x88: {  	s2 =	sld [smem:$0x3FD9]  }
0x89: {  	s3 =	sld [smem:$0x3FFE];
	_ =	sdelay $0x1  }
0x8a: {  	s1 =	srdreg.scid  }
0x8b: {  	s0 =	sand.u32 $0x1, s1  }
0x8c: {  	s17 =	sshll.u32 s0, $0xA;
	s2 =	sadd.s32 s3, s2  }
0x8d: {  	s2 =	sadd.s32 s2, s17  }
0x8e: {  	[smem:$0x3FC6] =	sst s2  }
0x8f: {  	_ = 	snop  }
0x90: {  	s2 =	sld [smem:$0x3FC8];
	(tm) =	ssettm $0x1  }
0x91: {  	s18 =	sld [smem:$0x3FFB];
	_ =	sdelay $0x3  }
0x92: {  	_ =	strace s18  }
0x93: {  	s3 =	sld [smem:$0x3FFC];
	_ =	sdelay $0x3  }
0x94: {  	_ =	strace s3  }
0x95: {  	s3 =	sld [smem:$0x3FFD];
	_ =	sdelay $0x3  }
0x96: {  	_ =	strace s3  }
0x97: {  	_ =	strace $0x8FFFFFFF  }
0x98: {  	s19 =	sld [smem:$0x3FDB];
	_ =	sdelay $0x1  }
0x99: {  	s4 =	simm.s32 $_scs_section_size  }
0x9a: {  	s5 =	simm.s32 $_size__tile_overlayer_lowered;
	s6 =	simm.s32 $_tile_overlayer_lowered  }
0x9b: {  	s22 =	simm.s32 $0x1BFF;
	s21 =	sshll.u32 s6, $0x1;
	s3 =	sadd.s32 s4, s19  }
0x9c: {  	s7 =	simm.s32 $0x0;
	s20 =	sshll.u32 s5, $0x1;
	s5 =	sadd.s32 s21, s3  }
0x9d: {  	[timem:s7], [sflag:s22] =	dma.local [hbm:s5], s20  }
0x9e: {  	_ =	swait.ge [sflag:s22], s20  }
0x9f: {  	s4 =	ssub.s32 $0x0, s20;
	[sflag:s22] =	ssyncset.done $0x0  }
0xa0: {  	[sflag:s22] =	ssyncadd.s32 s4;
	_ =	sdelay $0x1  }
0xa1: {  	s23 =	simm.s32 $0x1B8B  }
0xa2: {  	_ =	swait.ge [sflag:s23], $0x1  }
0xa3: {  	[sflag:s23] =	ssyncset.done $0x0  }
0xa4: {  	s25 =	simm.s32 $0x1B8E;
	s24 =	sld [smem:$0x3FFE];
	[sflag:s23] =	ssyncadd.s32 $0xFFFFFFFF  }
0xa5: {  	s26 =	simm.s32 $execute0_lowered;
	[smem:$0x3FD2] =	sst s25  }
0xa6: {  	s5 =	sshll.u32 s26, $0x1;
	_ =	strace $0x80000046;
	[dreg:$0x1] =	wrdreg $0xFFFFFFFF  }
0xa7: {  	s28 =	simm.s32 $_size_execute0_lowered;
	s3 =	sadd.s32 s3, s5;
	[dreg:$0x0] =	wrdreg $0x0  }
0xa8: {  	s5 =	sshll.u32 s28, $0x1;
	[dreg:$0x2] =	wrdreg s3  }
0xa9: {  	[dreg:$0x3] =	wrdreg s5  }
0xaa: {  	[dreg:$0x4] =	wrdreg $0xC0  }
0xab: {  	_ =	task [dreg:s7], $0x5FFFF  }
0xac: {  	[dreg:$0x1] =	wrdreg $0xFFFFFFFF  }
0xad: {  	[dreg:$0x0] =	wrdreg $0x60  }
0xae: {  	[dreg:$0x2] =	wrdreg s2  }
0xaf: {  	[dreg:$0x3] =	wrdreg s24  }
0xb0: {  	[dreg:$0x4] =	wrdreg $0x9  }
0xb1: {  	_ =	task.clear_ibuf [dreg:s7], $0x5FFFF;
	_ =	strace $0x90000046  }
0xb2: {  	s29 =	simm.s32 $0x9;
	_ =	strace $0x80000048  }
0xb3: {  	_ =	swait.ge [sflag:s29], $0x1  }
0xb4: {  	[sflag:s29] =	ssyncadd.s32 $0xFFFFFFFF  }
0xb5: {  	_ =	strace $0x90000048  }
0xb6: {  	_ =	sfence  }
0xb7: {  	s30 =	sld [smem:$0x0];
	_ =	sdelay $0x2  }
0xb8: {  	s31 =	sshll.u32 s1, $0xD;
	s1 =	sshrl.u32 s1, $0x2  }
0xb9: {  	s3 =	sand.u32 $0x4000, s31;
	s1 =	sadd.s32 s1, s30  }
0xba: {  	s0 =	sor.u32 s3, s0;
	s1 =	sshll.u32 s1, $0x11  }
0xbb: {  	s0 =	sor.u32 s1, s0  }
0xbc: {  	s0 =	sadd.s32 $0x8F2B, s0  }
0xbd: {  	[sflag:s0] =	ssyncadd.remote.s32 $0x1  }
0xbe: {  	_ =	sfence.sel $0xFFFF  }
0xbf: {  	[dreg:$0x0] =	wrdreg $0xFFFFFFFF;
	(pc) =	sbr.abs _section_cstart, $3  }
0xc0: {  	[dreg:$0x1] =	wrdreg $0xFFFFFFFF  }
0xc1: {  	_ =	task.clear_ibuf [dreg:s7], $0x2FFFF;
	_ =	strace $0x9FFFFFFF  }
0xc2: {  	(tm) =	ssettm $0x7FFFFFFF  }
0xc3: {  	_ =	shalt  }
tec
execute0_lowered:
.L_overlay_start_1:
0x0: {  	(tag) =	ssettag $0x1  }
0x1: {  	s0 =	srdreg.scid;
	s2 =	rddreg [dreg:$0x0]  }
0x2: {  	s1 =	stileid.u32;
	s4 =	rddreg [dreg:$0x1];
	s13 =	simm.s32 $0x3  }
0x3: {  	s14 =	simm.s32 $0x2;
	s15 =	simm.s32 $0x4;
	s17 =	simm.s32 $0xA00  }
0x4: {  	s18 =	simm.s32 $0x1200;
	s19 =	simm.s32 $0x1A00;
	s20 =	simm.s32 $0x2200  }
0x5: {  	s21 =	simm.s32 $0x2A00;
	s28 =	simm.s32 $0x5200;
	s29 =	simm.s32 $0x5A00  }
0x6: {  	s30 =	simm.s32 $0x6200;
	s31 =	simm.s32 $0x6A00;
	s12 =	simm.s32 $0x8200  }
0x7: {  	s7 =	simm.s32 $0x8A00;
	s8 =	simm.s32 $0x9200;
	s0 =	sand.u32 $0x1, s0  }
0x8: {  	s9 =	simm.s32 $0x9A00;
	s1 =	sshll.u32 s1, $0xA;
	s3 =	sshll.u32 s0, $0x9  }
0x9: {  	s10 =	simm.s32 $0xA200;
	s11 =	simm.s32 $0xAA00;
	s1 =	sor.u32 s3, s1  }
0xa: {  	s0 =	ssub.s32 $0x2, s0;
	s3 =	simm.s32 $0x0;
	s5 =	sshrl.u32 s1, $0x3  }
0xb: {  	s25 =	sshrl.u32 s0, $0x1;
	s1 =	sshll.u32 s1, $0x5;
	s5 =	sadd.s32 s5, s4  }
0xc: {  	[smem:$0x7FF] =	sst s3;
	s1 =	sadd.s32 s1, s4;
	s22 =	sadd.s32 $0x400, s5  }
0xd: {  	_ =	strace $0x80000047;
	s23 =	sadd.s32 $0xC00, s1;
	[dreg:$0x3] =	wrdreg s22  }
0xe: {  	s0 =	ssub.s32 s0, s25;
	s24 =	sadd.s32 $0x1C00, s1;
	[dreg:$0x4] =	wrdreg s23  }
0xf: {  	s25 =	simm.s32 $0x4200;
	s26 =	sadd.s32 $0x2C00, s1;
	[dreg:$0x5] =	wrdreg s24  }
0x10: {  	v2 =	vlaneseq.u32;
	s4 =	smax.u32 s0, $0x1;
	s1 =	sadd.s32 $0x3C00, s1;
	[dreg:$0x6] =	wrdreg s26  }
0x11: {  	vm0 =	vmmov $0xffff;
	v1 =	vshrl.u32 v2, $0x3;
	s5 =	simm.s32 $0x1;
	[dreg:$0x7] =	wrdreg s1;
	s23 =	simm.s32 $0x3200  }
0x12: {  	v0 =	vand.u32 $0x7, v2;
	v2 =	vor.u32 $0x8, v2;
	v1 =	vmul.u32 $0x8, v1;
	s24 =	simm.s32 $0x3A00;
	s26 =	simm.s32 $0x4A00;
	s1 =	simm.s32 $0x7200  }
.LBB2_1:
0x13: {  	s16 =	rddreg [dreg:$0x3];
	s0 =	simm.s32 $0x5  }
0x14: {  	[tilespmem:s3], [sflag:$0x5] =	stream.linear.gather [hbm4b:s16+s3], $0x200, $0x38;
	[tilespmem:$0x10200] =	vst v63  }
0x15: {  	_ =	swait.ge [sflag:s0], $0x200  }
0x16: {  	[sflag:s0] =	ssyncset.done $0x0  }
0x17: {  	[sflag:s0] =	ssyncadd.s32 $0xFFFFFE00  }
0x18: {  	v3 =	vld [tilespmem:$0x0];
	_ =	sdelay $0x4  }
0x19: {  	v4 =	vshll.u32 v3, $0x1  }
0x1a: {  	v3 =	vand.u32 $0x7, v3;
	v4 =	vand.u32 $0xFFFFFFF0, v4  }
0x1b: {  	v3 =	vor.u32 v3, v4  }
0x1c: {  	v4 =	vperm.xlane v3, v0;
	_ =	sdelay $0x1  }
0x1d: {  	v3 =	vperm.xlane v3, v2;
	v4 =	vadd.s32 v1, v4;
	_ =	sdelay $0x1  }
0x1e: {  	v3 =	vadd.s32 v1, v3;
	_ =	sdelay $0x1  }
0x1f: {  	s16 =	simm.s32 $0x200  }
0x20: {  	[tilespmem:s16], [sflag:$0x1] =	stream.indirect_vreg.gather [hbm4b:s2+s3], $0x80, v4, vm0, $0xb8;
	[tilespmem:$0x10200] =	vst v63  }
0x21: {  	_ = 	snop  }
0x22: {  	[tilespmem:s17], [sflag:$0x1] =	stream.indirect_vreg.gather [hbm4b:s2+s3], $0x80, v3, vm0, $0xb8;
	[tilespmem:$0x10200] =	vst v63  }
0x23: {  	v3 =	vld [tilespmem:$0x10];
	_ =	sdelay $0x4  }
0x24: {  	v33 =	vshll.u32 v3, $0x1  }
0x25: {  	v3 =	vand.u32 $0x7, v3;
	v4 =	vand.u32 $0xFFFFFFF0, v33  }
0x26: {  	v3 =	vor.u32 v3, v4  }
0x27: {  	v4 =	vperm.xlane v3, v0;
	_ =	sdelay $0x1  }
0x28: {  	v3 =	vperm.xlane v3, v2;
	v4 =	vadd.s32 v1, v4;
	_ =	sdelay $0x1  }
0x29: {  	v3 =	vadd.s32 v1, v3;
	_ =	sdelay $0x2  }
0x2a: {  	[tilespmem:s18], [sflag:$0x1] =	stream.indirect_vreg.gather [hbm4b:s2+s3], $0x80, v4, vm0, $0xb8;
	[tilespmem:$0x10200] =	vst v63  }
0x2b: {  	_ = 	snop  }
0x2c: {  	[tilespmem:s19], [sflag:$0x1] =	stream.indirect_vreg.gather [hbm4b:s2+s3], $0x80, v3, vm0, $0xb8;
	[tilespmem:$0x10200] =	vst v63  }
0x2d: {  	v3 =	vld [tilespmem:$0x20];
	_ =	sdelay $0x4  }
0x2e: {  	v34 =	vshll.u32 v3, $0x1  }
0x2f: {  	v3 =	vand.u32 $0x7, v3;
	v4 =	vand.u32 $0xFFFFFFF0, v34  }
0x30: {  	v3 =	vor.u32 v3, v4  }
0x31: {  	v4 =	vperm.xlane v3, v0;
	_ =	sdelay $0x1  }
0x32: {  	v3 =	vperm.xlane v3, v2;
	v4 =	vadd.s32 v1, v4;
	_ =	sdelay $0x1  }
0x33: {  	v3 =	vadd.s32 v1, v3;
	_ =	sdelay $0x2  }
0x34: {  	[tilespmem:s20], [sflag:$0x1] =	stream.indirect_vreg.gather [hbm4b:s2+s3], $0x80, v4, vm0, $0xb8;
	[tilespmem:$0x10200] =	vst v63  }
0x35: {  	_ = 	snop  }
0x36: {  	[tilespmem:s21], [sflag:$0x1] =	stream.indirect_vreg.gather [hbm4b:s2+s3], $0x80, v3, vm0, $0xb8;
	[tilespmem:$0x10200] =	vst v63  }
0x37: {  	v3 =	vld [tilespmem:$0x30];
	_ =	sdelay $0x4  }
0x38: {  	v35 =	vshll.u32 v3, $0x1  }
0x39: {  	v3 =	vand.u32 $0x7, v3;
	v4 =	vand.u32 $0xFFFFFFF0, v35  }
0x3a: {  	v3 =	vor.u32 v3, v4  }
0x3b: {  	v4 =	vperm.xlane v3, v0;
	_ =	sdelay $0x1  }
0x3c: {  	v3 =	vperm.xlane v3, v2;
	v4 =	vadd.s32 v1, v4;
	_ =	sdelay $0x1  }
0x3d: {  	v3 =	vadd.s32 v1, v3;
	_ =	sdelay $0x2  }
0x3e: {  	[tilespmem:s23], [sflag:$0x1] =	stream.indirect_vreg.gather [hbm4b:s2+s3], $0x80, v4, vm0, $0xb8;
	[tilespmem:$0x10200] =	vst v63  }
0x3f: {  	_ = 	snop  }
0x40: {  	[tilespmem:s24], [sflag:$0x1] =	stream.indirect_vreg.gather [hbm4b:s2+s3], $0x80, v3, vm0, $0xb8;
	[tilespmem:$0x10200] =	vst v63  }
0x41: {  	v3 =	vld [tilespmem:$0x40];
	_ =	sdelay $0x4  }
0x42: {  	v36 =	vshll.u32 v3, $0x1  }
0x43: {  	v3 =	vand.u32 $0x7, v3;
	v4 =	vand.u32 $0xFFFFFFF0, v36  }
0x44: {  	v3 =	vor.u32 v3, v4  }
0x45: {  	v4 =	vperm.xlane v3, v0;
	_ =	sdelay $0x1  }
0x46: {  	v3 =	vperm.xlane v3, v2;
	v4 =	vadd.s32 v1, v4;
	_ =	sdelay $0x1  }
0x47: {  	v3 =	vadd.s32 v1, v3;
	_ =	sdelay $0x2  }
0x48: {  	[tilespmem:s25], [sflag:$0x1] =	stream.indirect_vreg.gather [hbm4b:s2+s3], $0x80, v4, vm0, $0xb8;
	[tilespmem:$0x10200] =	vst v63  }
0x49: {  	_ = 	snop  }
0x4a: {  	[tilespmem:s26], [sflag:$0x1] =	stream.indirect_vreg.gather [hbm4b:s2+s3], $0x80, v3, vm0, $0xb8;
	[tilespmem:$0x10200] =	vst v63  }
0x4b: {  	v3 =	vld [tilespmem:$0x50];
	_ =	sdelay $0x4  }
0x4c: {  	v37 =	vshll.u32 v3, $0x1  }
0x4d: {  	v3 =	vand.u32 $0x7, v3;
	v4 =	vand.u32 $0xFFFFFFF0, v37  }
0x4e: {  	v3 =	vor.u32 v3, v4  }
0x4f: {  	v4 =	vperm.xlane v3, v0;
	_ =	sdelay $0x1  }
0x50: {  	v3 =	vperm.xlane v3, v2;
	v4 =	vadd.s32 v1, v4;
	_ =	sdelay $0x1  }
0x51: {  	v3 =	vadd.s32 v1, v3;
	_ =	sdelay $0x2  }
0x52: {  	[tilespmem:s28], [sflag:$0x1] =	stream.indirect_vreg.gather [hbm4b:s2+s3], $0x80, v4, vm0, $0xb8;
	[tilespmem:$0x10200] =	vst v63  }
0x53: {  	_ = 	snop  }
0x54: {  	[tilespmem:s29], [sflag:$0x1] =	stream.indirect_vreg.gather [hbm4b:s2+s3], $0x80, v3, vm0, $0xb8;
	[tilespmem:$0x10200] =	vst v63  }
0x55: {  	v3 =	vld [tilespmem:$0x60];
	_ =	sdelay $0x4  }
0x56: {  	v38 =	vshll.u32 v3, $0x1  }
0x57: {  	v3 =	vand.u32 $0x7, v3;
	v4 =	vand.u32 $0xFFFFFFF0, v38  }
0x58: {  	v3 =	vor.u32 v3, v4  }
0x59: {  	v4 =	vperm.xlane v3, v0;
	_ =	sdelay $0x1  }
0x5a: {  	v3 =	vperm.xlane v3, v2;
	v4 =	vadd.s32 v1, v4;
	_ =	sdelay $0x1  }
0x5b: {  	v3 =	vadd.s32 v1, v3;
	_ =	sdelay $0x2  }
0x5c: {  	[tilespmem:s30], [sflag:$0x1] =	stream.indirect_vreg.gather [hbm4b:s2+s3], $0x80, v4, vm0, $0xb8;
	[tilespmem:$0x10200] =	vst v63  }
0x5d: {  	_ = 	snop  }
0x5e: {  	[tilespmem:s31], [sflag:$0x1] =	stream.indirect_vreg.gather [hbm4b:s2+s3], $0x80, v3, vm0, $0xb8;
	[tilespmem:$0x10200] =	vst v63  }
0x5f: {  	v3 =	vld [tilespmem:$0x70];
	_ =	sdelay $0x4  }
0x60: {  	v39 =	vshll.u32 v3, $0x1  }
0x61: {  	v3 =	vand.u32 $0x7, v3;
	v4 =	vand.u32 $0xFFFFFFF0, v39  }
0x62: {  	v3 =	vor.u32 v3, v4  }
0x63: {  	v4 =	vperm.xlane v3, v0;
	_ =	sdelay $0x1  }
0x64: {  	v3 =	vperm.xlane v3, v2;
	v4 =	vadd.s32 v1, v4;
	_ =	sdelay $0x1  }
0x65: {  	v3 =	vadd.s32 v1, v3;
	_ =	sdelay $0x2  }
0x66: {  	[tilespmem:s1], [sflag:$0x1] =	stream.indirect_vreg.gather [hbm4b:s2+s3], $0x80, v4, vm0, $0xb8;
	[tilespmem:$0x10200] =	vst v63  }
0x67: {  	s0 =	simm.s32 $0x7A00  }
0x68: {  	[tilespmem:s0], [sflag:$0x1] =	stream.indirect_vreg.gather [hbm4b:s2+s3], $0x80, v3, vm0, $0xb8;
	[tilespmem:$0x10200] =	vst v63  }
0x69: {  	v3 =	vld [tilespmem:$0x80];
	_ =	sdelay $0x4  }
0x6a: {  	v40 =	vshll.u32 v3, $0x1  }
0x6b: {  	v3 =	vand.u32 $0x7, v3;
	v4 =	vand.u32 $0xFFFFFFF0, v40  }
0x6c: {  	v3 =	vor.u32 v3, v4  }
0x6d: {  	v4 =	vperm.xlane v3, v0;
	_ =	sdelay $0x1  }
0x6e: {  	v3 =	vperm.xlane v3, v2;
	v4 =	vadd.s32 v1, v4;
	_ =	sdelay $0x1  }
0x6f: {  	v3 =	vadd.s32 v1, v3;
	_ =	sdelay $0x2  }
0x70: {  	[tilespmem:s12], [sflag:$0x2] =	stream.indirect_vreg.gather [hbm4b:s2+s3], $0x80, v4, vm0, $0xb8;
	[tilespmem:$0x10200] =	vst v63  }
0x71: {  	_ = 	snop  }
0x72: {  	[tilespmem:s7], [sflag:$0x2] =	stream.indirect_vreg.gather [hbm4b:s2+s3], $0x80, v3, vm0, $0xb8;
	[tilespmem:$0x10200] =	vst v63  }
0x73: {  	v3 =	vld [tilespmem:$0x90];
	_ =	sdelay $0x4  }
0x74: {  	v41 =	vshll.u32 v3, $0x1  }
0x75: {  	v3 =	vand.u32 $0x7, v3;
	v4 =	vand.u32 $0xFFFFFFF0, v41  }
0x76: {  	v3 =	vor.u32 v3, v4  }
0x77: {  	v4 =	vperm.xlane v3, v0;
	_ =	sdelay $0x1  }
0x78: {  	v3 =	vperm.xlane v3, v2;
	v4 =	vadd.s32 v1, v4;
	_ =	sdelay $0x1  }
0x79: {  	v3 =	vadd.s32 v1, v3;
	_ =	sdelay $0x2  }
0x7a: {  	[tilespmem:s8], [sflag:$0x2] =	stream.indirect_vreg.gather [hbm4b:s2+s3], $0x80, v4, vm0, $0xb8;
	[tilespmem:$0x10200] =	vst v63  }
0x7b: {  	_ = 	snop  }
0x7c: {  	[tilespmem:s9], [sflag:$0x2] =	stream.indirect_vreg.gather [hbm4b:s2+s3], $0x80, v3, vm0, $0xb8;
	[tilespmem:$0x10200] =	vst v63  }
0x7d: {  	v3 =	vld [tilespmem:$0xA0];
	_ =	sdelay $0x4  }
0x7e: {  	v42 =	vshll.u32 v3, $0x1  }
0x7f: {  	v3 =	vand.u32 $0x7, v3;
	v4 =	vand.u32 $0xFFFFFFF0, v42  }
0x80: {  	v3 =	vor.u32 v3, v4  }
0x81: {  	v4 =	vperm.xlane v3, v0;
	_ =	sdelay $0x1  }
0x82: {  	v3 =	vperm.xlane v3, v2;
	v4 =	vadd.s32 v1, v4;
	_ =	sdelay $0x1  }
0x83: {  	v3 =	vadd.s32 v1, v3;
	_ =	sdelay $0x2  }
0x84: {  	[tilespmem:s10], [sflag:$0x2] =	stream.indirect_vreg.gather [hbm4b:s2+s3], $0x80, v4, vm0, $0xb8;
	[tilespmem:$0x10200] =	vst v63  }
0x85: {  	_ = 	snop  }
0x86: {  	[tilespmem:s11], [sflag:$0x2] =	stream.indirect_vreg.gather [hbm4b:s2+s3], $0x80, v3, vm0, $0xb8;
	[tilespmem:$0x10200] =	vst v63  }
0x87: {  	v3 =	vld [tilespmem:$0xB0];
	_ =	sdelay $0x4  }
0x88: {  	v43 =	vshll.u32 v3, $0x1  }
0x89: {  	v3 =	vand.u32 $0x7, v3;
	v4 =	vand.u32 $0xFFFFFFF0, v43  }
0x8a: {  	v3 =	vor.u32 v3, v4  }
0x8b: {  	v4 =	vperm.xlane v3, v0;
	_ =	sdelay $0x1  }
0x8c: {  	v3 =	vperm.xlane v3, v2;
	v4 =	vadd.s32 v1, v4;
	_ =	sdelay $0x1  }
0x8d: {  	v3 =	vadd.s32 v1, v3;
	_ =	sdelay $0x1  }
0x8e: {  	s6 =	simm.s32 $0xB200  }
0x8f: {  	[tilespmem:s6], [sflag:$0x2] =	stream.indirect_vreg.gather [hbm4b:s2+s3], $0x80, v4, vm0, $0xb8;
	[tilespmem:$0x10200] =	vst v63  }
0x90: {  	s6 =	simm.s32 $0xBA00  }
0x91: {  	[tilespmem:s6], [sflag:$0x2] =	stream.indirect_vreg.gather [hbm4b:s2+s3], $0x80, v3, vm0, $0xb8;
	[tilespmem:$0x10200] =	vst v63  }
0x92: {  	v3 =	vld [tilespmem:$0xC0];
	_ =	sdelay $0x4  }
0x93: {  	v44 =	vshll.u32 v3, $0x1  }
0x94: {  	v3 =	vand.u32 $0x7, v3;
	v4 =	vand.u32 $0xFFFFFFF0, v44  }
0x95: {  	v3 =	vor.u32 v3, v4  }
0x96: {  	v4 =	vperm.xlane v3, v0;
	_ =	sdelay $0x1  }
0x97: {  	v3 =	vperm.xlane v3, v2;
	v4 =	vadd.s32 v1, v4;
	_ =	sdelay $0x1  }
0x98: {  	v3 =	vadd.s32 v1, v3;
	_ =	sdelay $0x1  }
0x99: {  	s22 =	simm.s32 $0xC200  }
0x9a: {  	[tilespmem:s22], [sflag:$0x2] =	stream.indirect_vreg.gather [hbm4b:s2+s3], $0x80, v4, vm0, $0xb8;
	[tilespmem:$0x10200] =	vst v63  }
0x9b: {  	s22 =	simm.s32 $0xCA00  }
0x9c: {  	[tilespmem:s22], [sflag:$0x2] =	stream.indirect_vreg.gather [hbm4b:s2+s3], $0x80, v3, vm0, $0xb8;
	[tilespmem:$0x10200] =	vst v63  }
0x9d: {  	v3 =	vld [tilespmem:$0xD0];
	_ =	sdelay $0x4  }
0x9e: {  	v45 =	vshll.u32 v3, $0x1  }
0x9f: {  	v3 =	vand.u32 $0x7, v3;
	v4 =	vand.u32 $0xFFFFFFF0, v45  }
0xa0: {  	v3 =	vor.u32 v3, v4  }
0xa1: {  	v4 =	vperm.xlane v3, v0;
	_ =	sdelay $0x1  }
0xa2: {  	v3 =	vperm.xlane v3, v2;
	v4 =	vadd.s32 v1, v4;
	_ =	sdelay $0x1  }
0xa3: {  	v3 =	vadd.s32 v1, v3;
	_ =	sdelay $0x1  }
0xa4: {  	s22 =	simm.s32 $0xD200  }
0xa5: {  	[tilespmem:s22], [sflag:$0x2] =	stream.indirect_vreg.gather [hbm4b:s2+s3], $0x80, v4, vm0, $0xb8;
	[tilespmem:$0x10200] =	vst v63  }
0xa6: {  	s22 =	simm.s32 $0xDA00  }
0xa7: {  	[tilespmem:s22], [sflag:$0x2] =	stream.indirect_vreg.gather [hbm4b:s2+s3], $0x80, v3, vm0, $0xb8;
	[tilespmem:$0x10200] =	vst v63  }
0xa8: {  	v3 =	vld [tilespmem:$0xE0];
	_ =	sdelay $0x4  }
0xa9: {  	v46 =	vshll.u32 v3, $0x1  }
0xaa: {  	v3 =	vand.u32 $0x7, v3;
	v4 =	vand.u32 $0xFFFFFFF0, v46  }
0xab: {  	v3 =	vor.u32 v3, v4  }
0xac: {  	v4 =	vperm.xlane v3, v0;
	_ =	sdelay $0x1  }
0xad: {  	v3 =	vperm.xlane v3, v2;
	v4 =	vadd.s32 v1, v4;
	_ =	sdelay $0x1  }
0xae: {  	v3 =	vadd.s32 v1, v3;
	_ =	sdelay $0x1  }
0xaf: {  	s22 =	simm.s32 $0xE200  }
0xb0: {  	[tilespmem:s22], [sflag:$0x2] =	stream.indirect_vreg.gather [hbm4b:s2+s3], $0x80, v4, vm0, $0xb8;
	[tilespmem:$0x10200] =	vst v63  }
0xb1: {  	s22 =	simm.s32 $0xEA00  }
0xb2: {  	[tilespmem:s22], [sflag:$0x2] =	stream.indirect_vreg.gather [hbm4b:s2+s3], $0x80, v3, vm0, $0xb8;
	[tilespmem:$0x10200] =	vst v63  }
0xb3: {  	v3 =	vld [tilespmem:$0xF0];
	_ =	sdelay $0x4  }
0xb4: {  	v47 =	vshll.u32 v3, $0x1  }
0xb5: {  	v3 =	vand.u32 $0x7, v3;
	v4 =	vand.u32 $0xFFFFFFF0, v47  }
0xb6: {  	v3 =	vor.u32 v3, v4  }
0xb7: {  	v4 =	vperm.xlane v3, v0;
	_ =	sdelay $0x1  }
0xb8: {  	v3 =	vperm.xlane v3, v2;
	v4 =	vadd.s32 v1, v4;
	_ =	sdelay $0x1  }
0xb9: {  	v3 =	vadd.s32 v1, v3;
	_ =	sdelay $0x1  }
0xba: {  	s22 =	simm.s32 $0xF200  }
0xbb: {  	[tilespmem:s22], [sflag:$0x2] =	stream.indirect_vreg.gather [hbm4b:s2+s3], $0x80, v4, vm0, $0xb8;
	[tilespmem:$0x10200] =	vst v63  }
0xbc: {  	s22 =	simm.s32 $0xFA00  }
0xbd: {  	[tilespmem:s22], [sflag:$0x2] =	stream.indirect_vreg.gather [hbm4b:s2+s3], $0x80, v3, vm0, $0xb8;
	[tilespmem:$0x10200] =	vst v63  }
0xbe: {  	_ =	swait.ge [sflag:s5], $0x8000  }
0xbf: {  	[sflag:s5] =	ssyncset.done $0x0  }
0xc0: {  	s22 =	simm.s32 $0x200;
	s16 =	rddreg [dreg:$0x4];
	[sflag:s5] =	ssyncadd.s32 $0xFFFF8000  }
0xc1: {  	[hbm4b:s16+s3] =	stream.linear.scatter [tilespmem:s22], [sflag:$0x3], $0x8000, $0x38;
	[tilespmem:$0x10200] =	vst v63  }
0xc2: {  	_ =	swait.ge [sflag:s13], $0x8000  }
0xc3: {  	[sflag:s13] =	ssyncset.done $0x0  }
0xc4: {  	[sflag:s13] =	ssyncadd.s32 $0xFFFF8000  }
0xc5: {  	v3 =	vld [tilespmem:$0x100];
	_ =	sdelay $0x4  }
0xc6: {  	v48 =	vshll.u32 v3, $0x1  }
0xc7: {  	v3 =	vand.u32 $0x7, v3;
	v4 =	vand.u32 $0xFFFFFFF0, v48  }
0xc8: {  	v3 =	vor.u32 v3, v4  }
0xc9: {  	v4 =	vperm.xlane v3, v0;
	_ =	sdelay $0x1  }
0xca: {  	v3 =	vperm.xlane v3, v2;
	v4 =	vadd.s32 v1, v4;
	_ =	sdelay $0x1  }
0xcb: {  	v3 =	vadd.s32 v1, v3;
	_ =	sdelay $0x2  }
0xcc: {  	[tilespmem:s22], [sflag:$0x1] =	stream.indirect_vreg.gather [hbm4b:s2+s3], $0x80, v4, vm0, $0xb8;
	[tilespmem:$0x10200] =	vst v63  }
0xcd: {  	_ = 	snop  }
0xce: {  	[tilespmem:s17], [sflag:$0x1] =	stream.indirect_vreg.gather [hbm4b:s2+s3], $0x80, v3, vm0, $0xb8;
	[tilespmem:$0x10200] =	vst v63  }
0xcf: {  	v3 =	vld [tilespmem:$0x110];
	_ =	sdelay $0x4  }
0xd0: {  	v49 =	vshll.u32 v3, $0x1  }
0xd1: {  	v3 =	vand.u32 $0x7, v3;
	v4 =	vand.u32 $0xFFFFFFF0, v49  }
0xd2: {  	v3 =	vor.u32 v3, v4  }
0xd3: {  	v4 =	vperm.xlane v3, v0;
	_ =	sdelay $0x1  }
0xd4: {  	v3 =	vperm.xlane v3, v2;
	v4 =	vadd.s32 v1, v4;
	_ =	sdelay $0x1  }
0xd5: {  	v3 =	vadd.s32 v1, v3;
	_ =	sdelay $0x2  }
0xd6: {  	[tilespmem:s18], [sflag:$0x1] =	stream.indirect_vreg.gather [hbm4b:s2+s3], $0x80, v4, vm0, $0xb8;
	[tilespmem:$0x10200] =	vst v63  }
0xd7: {  	_ = 	snop  }
0xd8: {  	[tilespmem:s19], [sflag:$0x1] =	stream.indirect_vreg.gather [hbm4b:s2+s3], $0x80, v3, vm0, $0xb8;
	[tilespmem:$0x10200] =	vst v63  }
0xd9: {  	v3 =	vld [tilespmem:$0x120];
	_ =	sdelay $0x4  }
0xda: {  	v50 =	vshll.u32 v3, $0x1  }
0xdb: {  	v3 =	vand.u32 $0x7, v3;
	v4 =	vand.u32 $0xFFFFFFF0, v50  }
0xdc: {  	v3 =	vor.u32 v3, v4  }
0xdd: {  	v4 =	vperm.xlane v3, v0;
	_ =	sdelay $0x1  }
0xde: {  	v3 =	vperm.xlane v3, v2;
	v4 =	vadd.s32 v1, v4;
	_ =	sdelay $0x1  }
0xdf: {  	v3 =	vadd.s32 v1, v3;
	_ =	sdelay $0x2  }
0xe0: {  	[tilespmem:s20], [sflag:$0x1] =	stream.indirect_vreg.gather [hbm4b:s2+s3], $0x80, v4, vm0, $0xb8;
	[tilespmem:$0x10200] =	vst v63  }
0xe1: {  	_ = 	snop  }
0xe2: {  	[tilespmem:s21], [sflag:$0x1] =	stream.indirect_vreg.gather [hbm4b:s2+s3], $0x80, v3, vm0, $0xb8;
	[tilespmem:$0x10200] =	vst v63  }
0xe3: {  	v3 =	vld [tilespmem:$0x130];
	_ =	sdelay $0x4  }
0xe4: {  	v51 =	vshll.u32 v3, $0x1  }
0xe5: {  	v3 =	vand.u32 $0x7, v3;
	v4 =	vand.u32 $0xFFFFFFF0, v51  }
0xe6: {  	v3 =	vor.u32 v3, v4  }
0xe7: {  	v4 =	vperm.xlane v3, v0;
	_ =	sdelay $0x1  }
0xe8: {  	v3 =	vperm.xlane v3, v2;
	v4 =	vadd.s32 v1, v4;
	_ =	sdelay $0x1  }
0xe9: {  	v3 =	vadd.s32 v1, v3;
	_ =	sdelay $0x2  }
0xea: {  	[tilespmem:s23], [sflag:$0x1] =	stream.indirect_vreg.gather [hbm4b:s2+s3], $0x80, v4, vm0, $0xb8;
	[tilespmem:$0x10200] =	vst v63  }
0xeb: {  	_ = 	snop  }
0xec: {  	[tilespmem:s24], [sflag:$0x1] =	stream.indirect_vreg.gather [hbm4b:s2+s3], $0x80, v3, vm0, $0xb8;
	[tilespmem:$0x10200] =	vst v63  }
0xed: {  	v3 =	vld [tilespmem:$0x140];
	_ =	sdelay $0x4  }
0xee: {  	v52 =	vshll.u32 v3, $0x1  }
0xef: {  	v3 =	vand.u32 $0x7, v3;
	v4 =	vand.u32 $0xFFFFFFF0, v52  }
0xf0: {  	v3 =	vor.u32 v3, v4  }
0xf1: {  	v4 =	vperm.xlane v3, v0;
	_ =	sdelay $0x1  }
0xf2: {  	v3 =	vperm.xlane v3, v2;
	v4 =	vadd.s32 v1, v4;
	_ =	sdelay $0x1  }
0xf3: {  	v3 =	vadd.s32 v1, v3;
	_ =	sdelay $0x2  }
0xf4: {  	[tilespmem:s25], [sflag:$0x1] =	stream.indirect_vreg.gather [hbm4b:s2+s3], $0x80, v4, vm0, $0xb8;
	[tilespmem:$0x10200] =	vst v63  }
0xf5: {  	_ = 	snop  }
0xf6: {  	[tilespmem:s26], [sflag:$0x1] =	stream.indirect_vreg.gather [hbm4b:s2+s3], $0x80, v3, vm0, $0xb8;
	[tilespmem:$0x10200] =	vst v63  }
0xf7: {  	v3 =	vld [tilespmem:$0x150];
	_ =	sdelay $0x4  }
0xf8: {  	v53 =	vshll.u32 v3, $0x1  }
0xf9: {  	v3 =	vand.u32 $0x7, v3;
	v4 =	vand.u32 $0xFFFFFFF0, v53  }
0xfa: {  	v3 =	vor.u32 v3, v4  }
0xfb: {  	v4 =	vperm.xlane v3, v0;
	_ =	sdelay $0x1  }
0xfc: {  	v3 =	vperm.xlane v3, v2;
	v4 =	vadd.s32 v1, v4;
	_ =	sdelay $0x1  }
0xfd: {  	v3 =	vadd.s32 v1, v3;
	_ =	sdelay $0x2  }
0xfe: {  	[tilespmem:s28], [sflag:$0x1] =	stream.indirect_vreg.gather [hbm4b:s2+s3], $0x80, v4, vm0, $0xb8;
	[tilespmem:$0x10200] =	vst v63  }
0xff: {  	_ = 	snop  }
0x100: {  	[tilespmem:s29], [sflag:$0x1] =	stream.indirect_vreg.gather [hbm4b:s2+s3], $0x80, v3, vm0, $0xb8;
	[tilespmem:$0x10200] =	vst v63  }
0x101: {  	v3 =	vld [tilespmem:$0x160];
	_ =	sdelay $0x4  }
0x102: {  	v54 =	vshll.u32 v3, $0x1  }
0x103: {  	v3 =	vand.u32 $0x7, v3;
	v4 =	vand.u32 $0xFFFFFFF0, v54  }
0x104: {  	v3 =	vor.u32 v3, v4  }
0x105: {  	v4 =	vperm.xlane v3, v0;
	_ =	sdelay $0x1  }
0x106: {  	v3 =	vperm.xlane v3, v2;
	v4 =	vadd.s32 v1, v4;
	_ =	sdelay $0x1  }
0x107: {  	v3 =	vadd.s32 v1, v3;
	_ =	sdelay $0x2  }
0x108: {  	[tilespmem:s30], [sflag:$0x1] =	stream.indirect_vreg.gather [hbm4b:s2+s3], $0x80, v4, vm0, $0xb8;
	[tilespmem:$0x10200] =	vst v63  }
0x109: {  	_ = 	snop  }
0x10a: {  	[tilespmem:s31], [sflag:$0x1] =	stream.indirect_vreg.gather [hbm4b:s2+s3], $0x80, v3, vm0, $0xb8;
	[tilespmem:$0x10200] =	vst v63  }
0x10b: {  	v3 =	vld [tilespmem:$0x170];
	_ =	sdelay $0x4  }
0x10c: {  	v55 =	vshll.u32 v3, $0x1  }
0x10d: {  	v3 =	vand.u32 $0x7, v3;
	v4 =	vand.u32 $0xFFFFFFF0, v55  }
0x10e: {  	v3 =	vor.u32 v3, v4  }
0x10f: {  	v4 =	vperm.xlane v3, v0;
	_ =	sdelay $0x1  }
0x110: {  	v3 =	vperm.xlane v3, v2;
	v4 =	vadd.s32 v1, v4;
	_ =	sdelay $0x1  }
0x111: {  	v3 =	vadd.s32 v1, v3;
	_ =	sdelay $0x2  }
0x112: {  	[tilespmem:s1], [sflag:$0x1] =	stream.indirect_vreg.gather [hbm4b:s2+s3], $0x80, v4, vm0, $0xb8;
	[tilespmem:$0x10200] =	vst v63  }
0x113: {  	_ = 	snop  }
0x114: {  	[tilespmem:s0], [sflag:$0x1] =	stream.indirect_vreg.gather [hbm4b:s2+s3], $0x80, v3, vm0, $0xb8;
	[tilespmem:$0x10200] =	vst v63  }
0x115: {  	_ =	swait.ge [sflag:s14], $0x8000  }
0x116: {  	[sflag:s14] =	ssyncset.done $0x0  }
0x117: {  	s0 =	rddreg [dreg:$0x5];
	[sflag:s14] =	ssyncadd.s32 $0xFFFF8000  }
0x118: {  	[hbm4b:s0+s3] =	stream.linear.scatter [tilespmem:s12], [sflag:$0x4], $0x8000, $0x38;
	[tilespmem:$0x10200] =	vst v63  }
0x119: {  	_ =	swait.ge [sflag:s15], $0x8000  }
0x11a: {  	[sflag:s15] =	ssyncset.done $0x0  }
0x11b: {  	[sflag:s15] =	ssyncadd.s32 $0xFFFF8000  }
0x11c: {  	v3 =	vld [tilespmem:$0x180];
	_ =	sdelay $0x4  }
0x11d: {  	v56 =	vshll.u32 v3, $0x1  }
0x11e: {  	v3 =	vand.u32 $0x7, v3;
	v4 =	vand.u32 $0xFFFFFFF0, v56  }
0x11f: {  	v3 =	vor.u32 v3, v4  }
0x120: {  	v4 =	vperm.xlane v3, v0;
	_ =	sdelay $0x1  }
0x121: {  	v3 =	vperm.xlane v3, v2;
	v4 =	vadd.s32 v1, v4;
	_ =	sdelay $0x1  }
0x122: {  	v3 =	vadd.s32 v1, v3;
	_ =	sdelay $0x2  }
0x123: {  	[tilespmem:s12], [sflag:$0x2] =	stream.indirect_vreg.gather [hbm4b:s2+s3], $0x80, v4, vm0, $0xb8;
	[tilespmem:$0x10200] =	vst v63  }
0x124: {  	_ = 	snop  }
0x125: {  	[tilespmem:s7], [sflag:$0x2] =	stream.indirect_vreg.gather [hbm4b:s2+s3], $0x80, v3, vm0, $0xb8;
	[tilespmem:$0x10200] =	vst v63  }
0x126: {  	v3 =	vld [tilespmem:$0x190];
	_ =	sdelay $0x4  }
0x127: {  	v57 =	vshll.u32 v3, $0x1  }
0x128: {  	v3 =	vand.u32 $0x7, v3;
	v4 =	vand.u32 $0xFFFFFFF0, v57  }
0x129: {  	v3 =	vor.u32 v3, v4  }
0x12a: {  	v4 =	vperm.xlane v3, v0;
	_ =	sdelay $0x1  }
0x12b: {  	v3 =	vperm.xlane v3, v2;
	v4 =	vadd.s32 v1, v4;
	_ =	sdelay $0x1  }
0x12c: {  	v3 =	vadd.s32 v1, v3;
	_ =	sdelay $0x2  }
0x12d: {  	[tilespmem:s8], [sflag:$0x2] =	stream.indirect_vreg.gather [hbm4b:s2+s3], $0x80, v4, vm0, $0xb8;
	[tilespmem:$0x10200] =	vst v63  }
0x12e: {  	_ = 	snop  }
0x12f: {  	[tilespmem:s9], [sflag:$0x2] =	stream.indirect_vreg.gather [hbm4b:s2+s3], $0x80, v3, vm0, $0xb8;
	[tilespmem:$0x10200] =	vst v63  }
0x130: {  	v3 =	vld [tilespmem:$0x1A0];
	_ =	sdelay $0x4  }
0x131: {  	v58 =	vshll.u32 v3, $0x1  }
0x132: {  	v3 =	vand.u32 $0x7, v3;
	v4 =	vand.u32 $0xFFFFFFF0, v58  }
0x133: {  	v3 =	vor.u32 v3, v4  }
0x134: {  	v4 =	vperm.xlane v3, v0;
	_ =	sdelay $0x1  }
0x135: {  	v3 =	vperm.xlane v3, v2;
	v4 =	vadd.s32 v1, v4;
	_ =	sdelay $0x1  }
0x136: {  	v3 =	vadd.s32 v1, v3;
	_ =	sdelay $0x2  }
0x137: {  	[tilespmem:s10], [sflag:$0x2] =	stream.indirect_vreg.gather [hbm4b:s2+s3], $0x80, v4, vm0, $0xb8;
	[tilespmem:$0x10200] =	vst v63  }
0x138: {  	_ = 	snop  }
0x139: {  	[tilespmem:s11], [sflag:$0x2] =	stream.indirect_vreg.gather [hbm4b:s2+s3], $0x80, v3, vm0, $0xb8;
	[tilespmem:$0x10200] =	vst v63  }
0x13a: {  	v3 =	vld [tilespmem:$0x1B0];
	_ =	sdelay $0x4  }
0x13b: {  	v59 =	vshll.u32 v3, $0x1  }
0x13c: {  	v3 =	vand.u32 $0x7, v3;
	v4 =	vand.u32 $0xFFFFFFF0, v59  }
0x13d: {  	v3 =	vor.u32 v3, v4  }
0x13e: {  	v4 =	vperm.xlane v3, v0;
	_ =	sdelay $0x1  }
0x13f: {  	v3 =	vperm.xlane v3, v2;
	v4 =	vadd.s32 v1, v4;
	_ =	sdelay $0x1  }
0x140: {  	v3 =	vadd.s32 v1, v3;
	_ =	sdelay $0x1  }
0x141: {  	s16 =	simm.s32 $0xB200  }
0x142: {  	[tilespmem:s16], [sflag:$0x2] =	stream.indirect_vreg.gather [hbm4b:s2+s3], $0x80, v4, vm0, $0xb8;
	[tilespmem:$0x10200] =	vst v63  }
0x143: {  	_ = 	snop  }
0x144: {  	[tilespmem:s6], [sflag:$0x2] =	stream.indirect_vreg.gather [hbm4b:s2+s3], $0x80, v3, vm0, $0xb8;
	[tilespmem:$0x10200] =	vst v63  }
0x145: {  	v3 =	vld [tilespmem:$0x1C0];
	_ =	sdelay $0x4  }
0x146: {  	v60 =	vshll.u32 v3, $0x1  }
0x147: {  	v3 =	vand.u32 $0x7, v3;
	v4 =	vand.u32 $0xFFFFFFF0, v60  }
0x148: {  	v3 =	vor.u32 v3, v4  }
0x149: {  	v4 =	vperm.xlane v3, v0;
	_ =	sdelay $0x1  }
0x14a: {  	v3 =	vperm.xlane v3, v2;
	v4 =	vadd.s32 v1, v4;
	_ =	sdelay $0x1  }
0x14b: {  	v3 =	vadd.s32 v1, v3;
	_ =	sdelay $0x1  }
0x14c: {  	s6 =	simm.s32 $0xC200  }
0x14d: {  	[tilespmem:s6], [sflag:$0x2] =	stream.indirect_vreg.gather [hbm4b:s2+s3], $0x80, v4, vm0, $0xb8;
	[tilespmem:$0x10200] =	vst v63  }
0x14e: {  	s16 =	simm.s32 $0xCA00  }
0x14f: {  	[tilespmem:s16], [sflag:$0x2] =	stream.indirect_vreg.gather [hbm4b:s2+s3], $0x80, v3, vm0, $0xb8;
	[tilespmem:$0x10200] =	vst v63  }
0x150: {  	v3 =	vld [tilespmem:$0x1D0];
	_ =	sdelay $0x4  }
0x151: {  	v61 =	vshll.u32 v3, $0x1  }
0x152: {  	v3 =	vand.u32 $0x7, v3;
	v4 =	vand.u32 $0xFFFFFFF0, v61  }
0x153: {  	v3 =	vor.u32 v3, v4  }
0x154: {  	v4 =	vperm.xlane v3, v0;
	_ =	sdelay $0x1  }
0x155: {  	v3 =	vperm.xlane v3, v2;
	v4 =	vadd.s32 v1, v4;
	_ =	sdelay $0x1  }
0x156: {  	v3 =	vadd.s32 v1, v3;
	_ =	sdelay $0x1  }
0x157: {  	s6 =	simm.s32 $0xD200  }
0x158: {  	[tilespmem:s6], [sflag:$0x2] =	stream.indirect_vreg.gather [hbm4b:s2+s3], $0x80, v4, vm0, $0xb8;
	[tilespmem:$0x10200] =	vst v63  }
0x159: {  	s16 =	simm.s32 $0xDA00  }
0x15a: {  	[tilespmem:s16], [sflag:$0x2] =	stream.indirect_vreg.gather [hbm4b:s2+s3], $0x80, v3, vm0, $0xb8;
	[tilespmem:$0x10200] =	vst v63  }
0x15b: {  	v3 =	vld [tilespmem:$0x1E0];
	_ =	sdelay $0x4  }
0x15c: {  	v62 =	vshll.u32 v3, $0x1  }
0x15d: {  	v3 =	vand.u32 $0x7, v3;
	v4 =	vand.u32 $0xFFFFFFF0, v62  }
0x15e: {  	v3 =	vor.u32 v3, v4  }
0x15f: {  	v4 =	vperm.xlane v3, v0;
	_ =	sdelay $0x1  }
0x160: {  	v3 =	vperm.xlane v3, v2;
	v4 =	vadd.s32 v1, v4;
	_ =	sdelay $0x1  }
0x161: {  	v3 =	vadd.s32 v1, v3;
	_ =	sdelay $0x1  }
0x162: {  	s6 =	simm.s32 $0xE200  }
0x163: {  	[tilespmem:s6], [sflag:$0x2] =	stream.indirect_vreg.gather [hbm4b:s2+s3], $0x80, v4, vm0, $0xb8;
	[tilespmem:$0x10200] =	vst v63  }
0x164: {  	s16 =	simm.s32 $0xEA00  }
0x165: {  	[tilespmem:s16], [sflag:$0x2] =	stream.indirect_vreg.gather [hbm4b:s2+s3], $0x80, v3, vm0, $0xb8;
	[tilespmem:$0x10200] =	vst v63  }
0x166: {  	v3 =	vld [tilespmem:$0x1F0];
	_ =	sdelay $0x4  }
0x167: {  	v63 =	vshll.u32 v3, $0x1  }
0x168: {  	v3 =	vand.u32 $0x7, v3;
	v4 =	vand.u32 $0xFFFFFFF0, v63  }
0x169: {  	v3 =	vor.u32 v3, v4  }
0x16a: {  	v4 =	vperm.xlane v3, v0;
	_ =	sdelay $0x1  }
0x16b: {  	v3 =	vperm.xlane v3, v2;
	v4 =	vadd.s32 v1, v4;
	_ =	sdelay $0x1  }
0x16c: {  	v3 =	vadd.s32 v1, v3;
	_ =	sdelay $0x1  }
0x16d: {  	s6 =	simm.s32 $0xF200  }
0x16e: {  	[tilespmem:s6], [sflag:$0x2] =	stream.indirect_vreg.gather [hbm4b:s2+s3], $0x80, v4, vm0, $0xb8;
	[tilespmem:$0x10200] =	vst v63  }
0x16f: {  	s16 =	simm.s32 $0xFA00  }
0x170: {  	[tilespmem:s16], [sflag:$0x2] =	stream.indirect_vreg.gather [hbm4b:s2+s3], $0x80, v3, vm0, $0xb8;
	[tilespmem:$0x10200] =	vst v63  }
0x171: {  	_ =	swait.ge [sflag:s5], $0x8000  }
0x172: {  	[sflag:s5] =	ssyncset.done $0x0  }
0x173: {  	s22 =	simm.s32 $0x200;
	s6 =	rddreg [dreg:$0x6];
	[sflag:s5] =	ssyncadd.s32 $0xFFFF8000  }
0x174: {  	[hbm4b:s6+s3] =	stream.linear.scatter [tilespmem:s22], [sflag:$0x3], $0x8000, $0x38;
	[tilespmem:$0x10200] =	vst v63  }
0x175: {  	_ =	swait.ge [sflag:s14], $0x8000  }
0x176: {  	[sflag:s14] =	ssyncset.done $0x0  }
0x177: {  	s22 =	rddreg [dreg:$0x7];
	[sflag:s14] =	ssyncadd.s32 $0xFFFF8000  }
0x178: {  	[hbm4b:s22+s3] =	stream.linear.scatter [tilespmem:s12], [sflag:$0x4], $0x8000, $0x38;
	[tilespmem:$0x10200] =	vst v63  }
0x179: {  	p0 =	sne.s32 s4, $0x1;
	_ =	swait.ge [sflag:s13], $0x8000  }
.Ltmp0:
0x17a: {  	[sflag:s13] =	ssyncset.done $0x0;
	(pc) =	sbr.rel @p0 .LBB2_1-.Ltmp0, $4  }
0x17b: {  	[sflag:s13] =	ssyncadd.s32 $0xFFFF8000  }
0x17c: {  	_ =	swait.ge [sflag:s15], $0x8000  }
0x17d: {  	[sflag:s15] =	ssyncset.done $0x0  }
0x17e: {  	s4 =	sadd.s32 $0xFFFFFFFF, s4;
	[sflag:s15] =	ssyncadd.s32 $0xFFFF8000  }
0x17f: {  	_ =	sfence.sel $0x180000  }
0x180: {  	[bflag:$0x0] =	sbarrier.arrive $0xFFFF  }
0x181: {  	_ =	strace $0x90000047  }
0x182: {  	s0 =	stileid.u32;
	[bflag:$0x2] =	sbarrier.arrive $0xFFFF  }
0x183: {  	p0 =	sne.s32 s0, $0x0;
	s0 =	rddreg [dreg:$0x2]  }
0x184: {  	s0 =	sadd.s32 @!p0 $0x100000, s0  }
0x185: {  	[sflag:s0] =	ssyncadd.tile.s32 @!p0 $0x1;
	_ =	shalt  }
.Lfunc_end2:
_tile_overlayer_lowered:
.L_overlay_start_2:
0x186: {  	(tag) =	ssettag $0x2  }
0x187: {  	s0 =	rddreg [dreg:$0x0];
	s2 =	stileid.u32  }
0x188: {  	s1 =	rddreg [dreg:$0x1];
	p0 =	sne.s32 s2, $0x0  }
0x189: {  	s3 =	rddreg [dreg:$0x2];
	[bflag:$0x3] =	sbarrier.arrive $0xFFFF;
	s2 =	simm.s32 @!p0 $0x1C05  }
0x18a: {  	[timem:s3], [sflag:s2] =	dma.local @!p0 [hbm:s0], s1  }
0x18b: {  	s0 =	simm.s32 @!p0 $0x5  }
0x18c: {  	_ =	swait.ge @!p0 [sflag:s0], s1  }
0x18d: {  	s1 =	ssub.s32 @!p0 $0x0, s1;
	[sflag:s0] =	ssyncset.done @!p0 $0x0  }
0x18e: {  	[sflag:s0] =	ssyncadd.s32 @!p0 s1  }
0x18f: {  	[bflag:$0x3] =	sbarrier.arrive $0xFFFF  }
0x190: {  	_ =	shalt  }

</sc_bundles>
